<compile_context>
chip_gen: v7x
topology: tpu7x:2x2x1
jax: 0.10.2.dev20260603
libtpu: 0.0.44.dev20260713+nightly
codegen_flags: <defaults>
</compile_context>

<pallas_src>
import functools

import jax
import jax.numpy as jnp
from jax import lax
from jax.experimental import pallas as pl
from jax.experimental.pallas import tpu as pltpu
from jax.experimental.pallas import tpu_sc as plsc

ROWS = 1024
KTILE = 512
ROUND_AT = (2048, 4096, 6144)
GATHER_WINDOW = 128


def _merge(best, besti, d, lanes, base, lo, hi, k_total):
    if lo > 0 or hi < d.shape[1]:
        dm = jnp.where((lanes >= lo) & (lanes < hi), d, jnp.inf)
    else:
        dm = d
    tmin = jnp.min(dm, axis=1, keepdims=True)
    targ_f = jnp.min(jnp.where(dm == tmin, lanes, float(k_total)), axis=1,
                     keepdims=True)
    upd = tmin < best
    besti = jnp.where(upd, targ_f.astype(jnp.int32) + base, besti)
    best = jnp.where(upd, tmin, best)
    return best, besti


def _round_carry(best):
    return best.astype(jnp.bfloat16).astype(jnp.float32)


def _argmin_body(z_ref, cb_ref, idx_ref, csq_ref, *, k_total):
    zt = z_ref[...]
    z_sq = jnp.sum(zt * zt, axis=1, keepdims=True)

    @pl.when(pl.program_id(0) == 0)
    def _():
        for kt in range(k_total // KTILE):
            cb = cb_ref[kt * KTILE:(kt + 1) * KTILE, :]
            csq_ref[:, kt * KTILE:(kt + 1) * KTILE] = (
                jnp.sum(cb * cb, axis=1)[None, :])

    best = jnp.full((zt.shape[0], 1), jnp.inf, jnp.float32)
    besti = jnp.zeros((zt.shape[0], 1), jnp.int32)
    lanes = lax.broadcasted_iota(
        jnp.int32, (zt.shape[0], KTILE), 1).astype(jnp.float32)
    ztb = zt.astype(jnp.bfloat16)
    for kt in range(k_total // KTILE):
        base = kt * KTILE
        cb = cb_ref[base:base + KTILE, :]
        c_sq = csq_ref[:, base:base + KTILE]
        dots = lax.dot_general(
            ztb, cb.astype(jnp.bfloat16),
            (((1,), (1,)), ((), ())),
            preferred_element_type=jnp.float32)
        d = (z_sq - 2.0 * dots) + c_sq
        splits = [r - base for r in ROUND_AT if base < r < base + KTILE]
        if splits:
            off = splits[0]
            best, besti = _merge(best, besti, d, lanes, base, 0, off, k_total)
            best = _round_carry(best)
            best, besti = _merge(best, besti, d, lanes, base, off, KTILE, k_total)
        else:
            best, besti = _merge(best, besti, d, lanes, base, 0, KTILE, k_total)
            if base + KTILE in ROUND_AT:
                best = _round_carry(best)
    idx_ref[...] = besti


def _argmin_call(flat, codebook):
    n, d = flat.shape
    k, _ = codebook.shape
    return pl.pallas_call(
        functools.partial(_argmin_body, k_total=k),
        grid=(n // ROWS,),
        in_specs=[
            pl.BlockSpec((ROWS, d), lambda i: (i, 0)),
            pl.BlockSpec((k, d), lambda i: (0, 0)),
        ],
        out_specs=pl.BlockSpec((ROWS, 1), lambda i: (i, 0)),
        out_shape=jax.ShapeDtypeStruct((n, 1), jnp.int32),
        scratch_shapes=[pltpu.VMEM((1, k), jnp.float32)],
    )(flat, codebook)


def _gather_call(codebook, idx):
    n = idx.shape[1]
    _, d = codebook.shape
    mesh = plsc.VectorSubcoreMesh(core_axis_name="core",
                                  subcore_axis_name="subcore")

    @pl.kernel(out_type=jax.ShapeDtypeStruct((n, d), codebook.dtype),
               mesh=mesh)
    def gather_kernel(cb_hbm, i_hbm, o_hbm):
        def body(i_vmem, o_vmem):
            pltpu.sync_copy(cb_hbm.at[i_vmem.at[0]], o_vmem)

        pltpu.emit_pipeline(
            body,
            grid=(n // GATHER_WINDOW,),
            in_specs=[pl.BlockSpec((1, GATHER_WINDOW), lambda i: (0, i))],
            out_specs=[pl.BlockSpec((GATHER_WINDOW, d), lambda i: (i, 0))],
            core_axis_name=("core", "subcore"),
            dimension_semantics=(pltpu.PARALLEL,),
        )(i_hbm, o_hbm)

    return gather_kernel(codebook, idx)


def kernel(z, codebook):
    b, t, d = z.shape
    flat = z.reshape(-1, d)
    idx = _argmin_call(flat, codebook)
    quantised = _gather_call(codebook, idx.reshape(1, -1))
    return quantised.reshape(b, t, d)

# --- scband reference (transcript-rebuilt; emitter-appended) ---
"""Pipeline reference for scband-quantisation-block-13511967113454 (READ-ONLY COPY).

The authoritative reference and input builder live on the scoring server;
editing this copy changes nothing except your own understanding.
"""

import jax, jax.numpy as jnp
import numpy as np


def setup_inputs(seed: int = 0) -> dict:
    key = jax.random.key(seed)
    k1, k2 = jax.random.split(key)
    z = jax.random.normal(k1, (8, 1024, 256), dtype=jnp.float32)
    codebook = jax.random.normal(k2, (8192, 256), dtype=jnp.float32)
    return {"z": z, "codebook": codebook}


def reference(z, codebook):
    # Vector-quantise inputs: nearest-codebook-entry lookup.
    B, T, D = z.shape
    flat = z.reshape(-1, D)  # [B*T, D]
    # Squared L2 distances to every codebook entry: ||z||^2 - 2 z.c + ||c||^2
    z_sq = jnp.sum(flat * flat, axis=1, keepdims=True)          # [B*T, 1]
    c_sq = jnp.sum(codebook * codebook, axis=1)[None, :]        # [1, K]
    dots = flat @ codebook.T                                    # [B*T, K]  (compute-dominant)
    dists = z_sq - 2.0 * dots + c_sq                            # [B*T, K]
    idx = jnp.argmin(dists, axis=1)                             # [B*T]
    quantised = jnp.take(codebook, idx, axis=0)                 # gather -> SparseCore
    return quantised.reshape(B, T, D)

if __name__ == "__main__":
    import jax
    _d = setup_inputs()
    print(jax.jit(kernel)(*tuple(_d.values())))

</pallas_src>

<mosaic_0001>
#map = affine_map<(d0, d1) -> (0, 0)>
module attributes {stable_mosaic.version = 14 : i64} {
  func.func @gather_kernel(%arg0: i32, %arg1: i32, %arg2: memref<8192x256xf32, #tpu.memory_space<hbm>>, %arg3: memref<1x8192xi32, #tpu.memory_space<hbm>>, %arg4: memref<8192x256xf32, #tpu.memory_space<hbm>>) attributes {dimension_semantics = [#tpu.dimension_semantics<core_parallel>, #tpu.dimension_semantics<subcore_parallel>], iteration_bounds = array<i64: 2, 16>, scalar_prefetch = 0 : i64, scratch_operands = 0 : i64, tpu.core_type = #tpu.core_type<sc_vector_subcore>, window_params = [{transform_indices = #map}, {transform_indices = #map}, {transform_indices = #map}]} {
    %mul3A = arith.constant 1 : i32
    %mul3A_0 = arith.muli %arg1, %mul3A : i32
    %add3A = arith.constant 0 : i32
    %add3A_1 = arith.addi %add3A, %mul3A_0 : i32
    %mul3A_2 = arith.constant 16 : i32
    %mul3A_3 = arith.muli %arg0, %mul3A_2 : i32
    %add3A_4 = arith.addi %add3A_1, %mul3A_3 : i32
    %mul3A_5 = arith.constant 2 : i32
    %mul3A_6 = arith.muli %add3A_4, %mul3A_5 : i32
    "tpu.region"() ({
      %run_scoped3A = memref.alloca() : memref<2x1x128xi32, #tpu.memory_space<vmem>>
      %run_scoped3A_7 = tpu.sem_alloc : memref<2x!tpu.dma_semaphore, #tpu.memory_space<semaphore_mem>>
      %run_scoped3A_8 = memref.alloca() : memref<2x128x256xf32, #tpu.memory_space<vmem>>
      %run_scoped3A_9 = tpu.sem_alloc : memref<2x!tpu.dma_semaphore, #tpu.memory_space<semaphore_mem>>
      %add3A_10 = arith.constant 0 : i32
      %add3A_11 = arith.addi %add3A_10, %mul3A_6 : i32
      %select_n3A = arith.constant true
      %select_n3A_12 = arith.constant 0 : i32
      %select_n3A_13 = arith.constant -1 : i32
      %select_n3A_14 = arith.select %select_n3A, %select_n3A_13, %select_n3A_12 : i32
      %eq3A = arith.constant -1 : i32
      %eq3A_15 = arith.cmpi eq, %select_n3A_14, %eq3A : i32
      %select_n3A_16 = arith.constant 1 : i32
      %select_n3A_17 = arith.select %eq3A_15, %select_n3A_16, %select_n3A_14 : i32
      %add3A_18 = arith.addi %select_n3A_17, %mul3A_6 : i32
      %select_n3A_19 = arith.constant true
      %select_n3A_20 = arith.constant 0 : i32
      %select_n3A_21 = arith.constant 1 : i32
      %select_n3A_22 = arith.select %select_n3A_19, %select_n3A_21, %select_n3A_20 : i32
      %eq3A_23 = arith.constant 2 : i32
      %eq3A_24 = arith.cmpi eq, %select_n3A_22, %eq3A_23 : i32
      %select_n3A_25 = arith.constant 0 : i32
      %select_n3A_26 = arith.select %eq3A_24, %select_n3A_25, %select_n3A_22 : i32
      %add3A_27 = arith.addi %select_n3A_26, %mul3A_6 : i32
      %add3A_28 = arith.constant 1 : i32
      %add3A_29 = arith.addi %select_n3A_26, %add3A_28 : i32
      %select_n3A_30 = arith.constant true
      %select_n3A_31 = arith.select %select_n3A_30, %add3A_29, %select_n3A_26 : i32
      %eq3A_32 = arith.constant 2 : i32
      %eq3A_33 = arith.cmpi eq, %select_n3A_31, %eq3A_32 : i32
      %select_n3A_34 = arith.constant 0 : i32
      %select_n3A_35 = arith.select %eq3A_33, %select_n3A_34, %select_n3A_31 : i32
      %add3A_36 = arith.addi %select_n3A_35, %mul3A_6 : i32
      "tpu.trace_start"() <{level = 10 : i32, message = "ep_initialize_0"}> : () -> ()
      %rem3A = arith.constant 0 : i32
      %rem3A_37 = arith.constant 2 : i32
      %rem3A_38 = arith.remui %rem3A, %rem3A_37 : i32
      %mul3A_39 = arith.constant 128 : i32
      %mul3A_40 = arith.muli %mul3A_39, %add3A_11 : i32
      %dma_start3A = arith.constant 0 : i32
      %dma_start3A_41 = arith.constant 0 : i32
      %dma_start3A_42 = tpu.memref_slice %run_scoped3A[%rem3A_38, %dma_start3A, %dma_start3A_41] : memref<2x1x128xi32, #tpu.memory_space<vmem>> -> memref<1x1x128xi32, #tpu.memory_space<vmem>>
      %dma_start3A_43 = tpu.memref_squeeze %dma_start3A_42 : memref<1x1x128xi32, #tpu.memory_space<vmem>> -> memref<1x128xi32, #tpu.memory_space<vmem>>
      %dma_start3A_44 = arith.constant 0 : i32
      %dma_start3A_45 = tpu.memref_slice %arg3[%dma_start3A_44, %mul3A_40] : memref<1x8192xi32, #tpu.memory_space<hbm>> -> memref<1x128xi32, #tpu.memory_space<hbm>>
      %dma_start3A_46 = tpu.memref_slice %run_scoped3A_7[%rem3A_38] : memref<2x!tpu.dma_semaphore, #tpu.memory_space<semaphore_mem>> -> memref<1x!tpu.dma_semaphore, #tpu.memory_space<semaphore_mem>>
      %dma_start3A_47 = tpu.memref_squeeze %dma_start3A_46 : memref<1x!tpu.dma_semaphore, #tpu.memory_space<semaphore_mem>> -> memref<!tpu.dma_semaphore, #tpu.memory_space<semaphore_mem>>
      %dma_start3A_48 = arith.constant 0 : i32
      %dma_start3A_49 = arith.constant 0 : i32
      %dma_start3A_50 = tpu.memref_slice %run_scoped3A[%rem3A_38, %dma_start3A_48, %dma_start3A_49] : memref<2x1x128xi32, #tpu.memory_space<vmem>> -> memref<1x1x128xi32, #tpu.memory_space<vmem>>
      %dma_start3A_51 = tpu.memref_squeeze %dma_start3A_50 : memref<1x1x128xi32, #tpu.memory_space<vmem>> -> memref<1x128xi32, #tpu.memory_space<vmem>>
      %dma_start3A_52 = arith.constant 0 : i32
      %dma_start3A_53 = tpu.memref_slice %arg3[%dma_start3A_52, %mul3A_40] : memref<1x8192xi32, #tpu.memory_space<hbm>> -> memref<1x128xi32, #tpu.memory_space<hbm>>
      tpu.enqueue_dma source(%dma_start3A_53 : memref<1x128xi32, #tpu.memory_space<hbm>>) target(%dma_start3A_51 : memref<1x128xi32, #tpu.memory_space<vmem>>) target_semaphore(%dma_start3A_47 : memref<!tpu.dma_semaphore, #tpu.memory_space<semaphore_mem>>)
      %add3A_54 = arith.constant 0 : i32
      %add3A_55 = arith.constant 1 : i32
      %add3A_56 = arith.addi %add3A_54, %add3A_55 : i32
      %select_n3A_57 = arith.constant true
      %select_n3A_58 = arith.constant 0 : i32
      %select_n3A_59 = arith.select %select_n3A_57, %add3A_56, %select_n3A_58 : i32
      "tpu.trace_stop"() : () -> ()
      %scan3A = arith.constant 0 : i32
      %scan3A_60 = arith.constant 0 : i32
      %scan3A_61 = arith.constant 0 : i32
      %scan3A_62 = arith.constant 0 : i32
      %scan3A_63 = arith.constant 0 : i32
      %scan3A_64 = arith.constant 2 : i32
      %scan3A_65 = arith.addi %scan3A_63, %scan3A_64 : i32
      %scan3A_66 = arith.constant 1 : i32
      %scan3A_67:5 = scf.for %scan3A_121 = %scan3A_63 to %scan3A_65 step %scan3A_66 iter_args(%scan3A_122 = %select_n3A_59, %scan3A_123 = %scan3A, %scan3A_124 = %scan3A_60, %scan3A_125 = %scan3A_61, %scan3A_126 = %scan3A_62) -> (i32, i32, i32, i32, i32)  : i32 {
        %eq3A_127 = arith.constant 0 : i32
        %eq3A_128 = arith.cmpi eq, %scan3A_121, %eq3A_127 : i32
        %eq3A_129 = arith.constant 1 : i32
        %eq3A_130 = arith.cmpi eq, %scan3A_121, %eq3A_129 : i32
        %add3A_131 = arith.addi %scan3A_126, %mul3A_6 : i32
        %sub3A_132 = arith.constant 1 : i32
        %sub3A_133 = arith.subi %scan3A_126, %sub3A_132 : i32
        %select_n3A_134 = arith.constant true
        %select_n3A_135 = arith.select %select_n3A_134, %sub3A_133, %scan3A_126 : i32
        %eq3A_136 = arith.constant -1 : i32
        %eq3A_137 = arith.cmpi eq, %select_n3A_135, %eq3A_136 : i32
        %select_n3A_138 = arith.constant 1 : i32
        %select_n3A_139 = arith.select %eq3A_137, %select_n3A_138, %select_n3A_135 : i32
        %add3A_140 = arith.addi %select_n3A_139, %mul3A_6 : i32
        %add3A_141 = arith.constant 1 : i32
        %add3A_142 = arith.addi %scan3A_126, %add3A_141 : i32
        %select_n3A_143 = arith.constant true
        %select_n3A_144 = arith.select %select_n3A_143, %add3A_142, %scan3A_126 : i32
        %eq3A_145 = arith.constant 2 : i32
        %eq3A_146 = arith.cmpi eq, %select_n3A_144, %eq3A_145 : i32
        %select_n3A_147 = arith.constant 0 : i32
        %select_n3A_148 = arith.select %eq3A_146, %select_n3A_147, %select_n3A_144 : i32
        %add3A_149 = arith.addi %select_n3A_148, %mul3A_6 : i32
        %add3A_150 = arith.constant 1 : i32
        %add3A_151 = arith.addi %select_n3A_148, %add3A_150 : i32
        %select_n3A_152 = arith.constant true
        %select_n3A_153 = arith.select %select_n3A_152, %add3A_151, %select_n3A_148 : i32
        %eq3A_154 = arith.constant 2 : i32
        %eq3A_155 = arith.cmpi eq, %select_n3A_153, %eq3A_154 : i32
        %select_n3A_156 = arith.constant 0 : i32
        %select_n3A_157 = arith.select %eq3A_155, %select_n3A_156, %select_n3A_153 : i32
        %add3A_158 = arith.addi %select_n3A_157, %mul3A_6 : i32
        %ne3A = arith.cmpi ne, %add3A_131, %add3A_149 : i32
        %or3A = arith.constant false
        %or3A_159 = arith.ori %or3A, %ne3A : i1
        %ge3A = arith.constant 1 : i32
        %ge3A_160 = arith.cmpi sge, %scan3A_121, %ge3A : i32
        %not3A = arith.constant true
        %not3A_161 = arith.xori %ge3A_160, %not3A : i1
        %and3A = arith.andi %or3A_159, %not3A_161 : i1
        %convert_element_type3A = arith.extui %and3A : i1 to i32
        %cond3A = arith.constant 0 : i32
        %cond3A_162 = arith.cmpi ne, %convert_element_type3A, %cond3A : i32
        scf.if %cond3A_162 {
          "tpu.trace_start"() <{level = 10 : i32, message = "ep_copy_in"}> : () -> ()
          %rem3A_264 = arith.constant 2 : i32
          %rem3A_265 = arith.remui %scan3A_122, %rem3A_264 : i32
          %mul3A_266 = arith.constant 128 : i32
          %mul3A_267 = arith.muli %mul3A_266, %add3A_149 : i32
          %dma_start3A_268 = arith.constant 0 : i32
          %dma_start3A_269 = arith.constant 0 : i32
          %dma_start3A_270 = tpu.memref_slice %run_scoped3A[%rem3A_265, %dma_start3A_268, %dma_start3A_269] : memref<2x1x128xi32, #tpu.memory_space<vmem>> -> memref<1x1x128xi32, #tpu.memory_space<vmem>>
          %dma_start3A_271 = tpu.memref_squeeze %dma_start3A_270 : memref<1x1x128xi32, #tpu.memory_space<vmem>> -> memref<1x128xi32, #tpu.memory_space<vmem>>
          %dma_start3A_272 = arith.constant 0 : i32
          %dma_start3A_273 = tpu.memref_slice %arg3[%dma_start3A_272, %mul3A_267] : memref<1x8192xi32, #tpu.memory_space<hbm>> -> memref<1x128xi32, #tpu.memory_space<hbm>>
          %dma_start3A_274 = tpu.memref_slice %run_scoped3A_7[%rem3A_265] : memref<2x!tpu.dma_semaphore, #tpu.memory_space<semaphore_mem>> -> memref<1x!tpu.dma_semaphore, #tpu.memory_space<semaphore_mem>>
          %dma_start3A_275 = tpu.memref_squeeze %dma_start3A_274 : memref<1x!tpu.dma_semaphore, #tpu.memory_space<semaphore_mem>> -> memref<!tpu.dma_semaphore, #tpu.memory_space<semaphore_mem>>
          %dma_start3A_276 = arith.constant 0 : i32
          %dma_start3A_277 = arith.constant 0 : i32
          %dma_start3A_278 = tpu.memref_slice %run_scoped3A[%rem3A_265, %dma_start3A_276, %dma_start3A_277] : memref<2x1x128xi32, #tpu.memory_space<vmem>> -> memref<1x1x128xi32, #tpu.memory_space<vmem>>
          %dma_start3A_279 = tpu.memref_squeeze %dma_start3A_278 : memref<1x1x128xi32, #tpu.memory_space<vmem>> -> memref<1x128xi32, #tpu.memory_space<vmem>>
          %dma_start3A_280 = arith.constant 0 : i32
          %dma_start3A_281 = tpu.memref_slice %arg3[%dma_start3A_280, %mul3A_267] : memref<1x8192xi32, #tpu.memory_space<hbm>> -> memref<1x128xi32, #tpu.memory_space<hbm>>
          tpu.enqueue_dma source(%dma_start3A_281 : memref<1x128xi32, #tpu.memory_space<hbm>>) target(%dma_start3A_279 : memref<1x128xi32, #tpu.memory_space<vmem>>) target_semaphore(%dma_start3A_275 : memref<!tpu.dma_semaphore, #tpu.memory_space<semaphore_mem>>)
          "tpu.trace_stop"() : () -> ()
        } else {
        }
        %and3A_163 = arith.constant true
        %and3A_164 = arith.andi %and3A, %and3A_163 : i1
        %add3A_165 = arith.constant 1 : i32
        %add3A_166 = arith.addi %scan3A_122, %add3A_165 : i32
        %select_n3A_167 = arith.select %and3A_164, %add3A_166, %scan3A_122 : i32
        %ne3A_168 = arith.cmpi ne, %add3A_131, %add3A_149 : i32
        %or3A_169 = arith.constant false
        %or3A_170 = arith.ori %or3A_169, %ne3A_168 : i1
        %or3A_171 = arith.constant false
        %or3A_172 = arith.ori %or3A_170, %or3A_171 : i1
        %ge3A_173 = arith.constant 1 : i32
        %ge3A_174 = arith.cmpi sge, %scan3A_121, %ge3A_173 : i32
        %not3A_175 = arith.constant true
        %not3A_176 = arith.xori %ge3A_174, %not3A_175 : i1
        %and3A_177 = arith.andi %or3A_172, %not3A_176 : i1
        %ne3A_178 = arith.cmpi ne, %add3A_131, %add3A_140 : i32
        %or3A_179 = arith.constant false
        %or3A_180 = arith.ori %or3A_179, %ne3A_178 : i1
        %or3A_181 = arith.ori %or3A_180, %eq3A_128 : i1
        %convert_element_type3A_182 = arith.extui %or3A_181 : i1 to i32
        %cond3A_183 = arith.constant 0 : i32
        %cond3A_184 = arith.cmpi ne, %convert_element_type3A_182, %cond3A_183 : i32
        scf.if %cond3A_184 {
          "tpu.trace_start"() <{level = 10 : i32, message = "ep_wait_in"}> : () -> ()
          %mul3A_264 = arith.constant 128 : i32
          %mul3A_265 = arith.muli %mul3A_264, %add3A_131 : i32
          %rem3A_266 = arith.constant 2 : i32
          %rem3A_267 = arith.remui %scan3A_123, %rem3A_266 : i32
          %dma_wait3A_268 = arith.constant 0 : i32
          %dma_wait3A_269 = arith.constant 0 : i32
          %dma_wait3A_270 = tpu.memref_slice %run_scoped3A[%rem3A_267, %dma_wait3A_268, %dma_wait3A_269] : memref<2x1x128xi32, #tpu.memory_space<vmem>> -> memref<1x1x128xi32, #tpu.memory_space<vmem>>
          %dma_wait3A_271 = tpu.memref_squeeze %dma_wait3A_270 : memref<1x1x128xi32, #tpu.memory_space<vmem>> -> memref<1x128xi32, #tpu.memory_space<vmem>>
          %dma_wait3A_272 = arith.constant 0 : i32
          %dma_wait3A_273 = tpu.memref_slice %arg3[%dma_wait3A_272, %mul3A_265] : memref<1x8192xi32, #tpu.memory_space<hbm>> -> memref<1x128xi32, #tpu.memory_space<hbm>>
          %dma_wait3A_274 = tpu.memref_slice %run_scoped3A_7[%rem3A_267] : memref<2x!tpu.dma_semaphore, #tpu.memory_space<semaphore_mem>> -> memref<1x!tpu.dma_semaphore, #tpu.memory_space<semaphore_mem>>
          %dma_wait3A_275 = tpu.memref_squeeze %dma_wait3A_274 : memref<1x!tpu.dma_semaphore, #tpu.memory_space<semaphore_mem>> -> memref<!tpu.dma_semaphore, #tpu.memory_space<semaphore_mem>>
          %dma_wait3A_276 = arith.constant 0 : i32
          %dma_wait3A_277 = arith.constant 0 : i32
          %dma_wait3A_278 = tpu.memref_slice %run_scoped3A[%rem3A_267, %dma_wait3A_276, %dma_wait3A_277] : memref<2x1x128xi32, #tpu.memory_space<vmem>> -> memref<1x1x128xi32, #tpu.memory_space<vmem>>
          %dma_wait3A_279 = tpu.memref_squeeze %dma_wait3A_278 : memref<1x1x128xi32, #tpu.memory_space<vmem>> -> memref<1x128xi32, #tpu.memory_space<vmem>>
          %dma_wait3A_280 = arith.constant 0 : i32
          %dma_wait3A_281 = tpu.memref_slice %arg3[%dma_wait3A_280, %mul3A_265] : memref<1x8192xi32, #tpu.memory_space<hbm>> -> memref<1x128xi32, #tpu.memory_space<hbm>>
          tpu.wait_dma2 semaphore(%dma_wait3A_275 : memref<!tpu.dma_semaphore, #tpu.memory_space<semaphore_mem>>) src(%dma_wait3A_281 : memref<1x128xi32, #tpu.memory_space<hbm>>) dst(%dma_wait3A_279 : memref<1x128xi32, #tpu.memory_space<vmem>>)
          "tpu.trace_stop"() : () -> ()
        } else {
        }
        %ne3A_185 = arith.cmpi ne, %add3A_131, %add3A_140 : i32
        %or3A_186 = arith.constant false
        %or3A_187 = arith.ori %or3A_186, %ne3A_185 : i1
        %or3A_188 = arith.constant false
        %or3A_189 = arith.ori %or3A_187, %or3A_188 : i1
        %or3A_190 = arith.ori %or3A_189, %eq3A_128 : i1
        %convert_element_type3A_191 = arith.extui %or3A_190 : i1 to i32
        %cond3A_192 = arith.constant 0 : i32
        %cond3A_193 = arith.cmpi ne, %convert_element_type3A_191, %cond3A_192 : i32
        scf.if %cond3A_193 {
        } else {
        }
        %rem3A_194 = arith.constant 2 : i32
        %rem3A_195 = arith.remui %scan3A_123, %rem3A_194 : i32
        %rem3A_196 = arith.constant 2 : i32
        %rem3A_197 = arith.remui %scan3A_124, %rem3A_196 : i32
        %run_scoped3A_198 = arith.constant 0 : i32
        "tpu.trace_start"() <{level = 10 : i32, message = "ep_run_kernel"}> : () -> ()
        "tpu.region"() ({
          %run_scoped3A_264 = tpu.sem_alloc : memref<!tpu.dma_semaphore, #tpu.memory_space<semaphore_mem>>
          %dma_start3A_265 = arith.constant 0 : i32
          %dma_start3A_266 = arith.constant 0 : i32
          %dma_start3A_267 = tpu.memref_slice %run_scoped3A_8[%rem3A_197, %dma_start3A_265, %dma_start3A_266] : memref<2x128x256xf32, #tpu.memory_space<vmem>> -> memref<1x128x256xf32, #tpu.memory_space<vmem>>
          %dma_start3A_268 = tpu.memref_squeeze %dma_start3A_267 : memref<1x128x256xf32, #tpu.memory_space<vmem>> -> memref<128x256xf32, #tpu.memory_space<vmem>>
          %dma_start3A_269 = arith.constant 0 : i32
          %dma_start3A_270 = arith.constant 0 : i32
          %dma_start3A_271 = tpu.memref_slice %run_scoped3A[%rem3A_195, %dma_start3A_269, %dma_start3A_270] : memref<2x1x128xi32, #tpu.memory_space<vmem>> -> memref<1x1x128xi32, #tpu.memory_space<vmem>>
          %dma_start3A_272 = tpu.memref_squeeze %dma_start3A_271 : memref<1x1x128xi32, #tpu.memory_space<vmem>> -> memref<1x128xi32, #tpu.memory_space<vmem>>
          %dma_start3A_273 = arith.constant 0 : i32
          %dma_start3A_274 = tpu.memref_slice %dma_start3A_272[%run_scoped3A_198, %dma_start3A_273] : memref<1x128xi32, #tpu.memory_space<vmem>> -> memref<1x128xi32, #tpu.memory_space<vmem>>
          %dma_start3A_275 = tpu.memref_squeeze %dma_start3A_274 : memref<1x128xi32, #tpu.memory_space<vmem>> -> memref<128xi32, #tpu.memory_space<vmem>>
          %dma_start3A_276 = arith.constant 0 : i32
          %dma_start3A_277 = arith.constant 0 : i32
          %dma_start3A_278 = tpu.memref_slice %arg2[%dma_start3A_276, %dma_start3A_277] : memref<8192x256xf32, #tpu.memory_space<hbm>> -> memref<8192x256xf32, #tpu.memory_space<hbm>>
          tpu.enqueue_indirect_dma source(%dma_start3A_278 : memref<8192x256xf32, #tpu.memory_space<hbm>>) target(%dma_start3A_268 : memref<128x256xf32, #tpu.memory_space<vmem>>) offsets(%dma_start3A_275 : memref<128xi32, #tpu.memory_space<vmem>>) semaphore(%run_scoped3A_264 : memref<!tpu.dma_semaphore, #tpu.memory_space<semaphore_mem>>)
          %dma_wait3A_279 = arith.constant 0 : i32
          %dma_wait3A_280 = arith.constant 0 : i32
          %dma_wait3A_281 = tpu.memref_slice %run_scoped3A_8[%rem3A_197, %dma_wait3A_279, %dma_wait3A_280] : memref<2x128x256xf32, #tpu.memory_space<vmem>> -> memref<1x128x256xf32, #tpu.memory_space<vmem>>
          %dma_wait3A_282 = tpu.memref_squeeze %dma_wait3A_281 : memref<1x128x256xf32, #tpu.memory_space<vmem>> -> memref<128x256xf32, #tpu.memory_space<vmem>>
          %dma_wait3A_283 = arith.constant 0 : i32
          %dma_wait3A_284 = arith.constant 0 : i32
          %dma_wait3A_285 = tpu.memref_slice %run_scoped3A[%rem3A_195, %dma_wait3A_283, %dma_wait3A_284] : memref<2x1x128xi32, #tpu.memory_space<vmem>> -> memref<1x1x128xi32, #tpu.memory_space<vmem>>
          %dma_wait3A_286 = tpu.memref_squeeze %dma_wait3A_285 : memref<1x1x128xi32, #tpu.memory_space<vmem>> -> memref<1x128xi32, #tpu.memory_space<vmem>>
          %dma_wait3A_287 = arith.constant 0 : i32
          %dma_wait3A_288 = tpu.memref_slice %dma_wait3A_286[%run_scoped3A_198, %dma_wait3A_287] : memref<1x128xi32, #tpu.memory_space<vmem>> -> memref<1x128xi32, #tpu.memory_space<vmem>>
          %dma_wait3A_289 = tpu.memref_squeeze %dma_wait3A_288 : memref<1x128xi32, #tpu.memory_space<vmem>> -> memref<128xi32, #tpu.memory_space<vmem>>
          %dma_wait3A_290 = arith.constant 0 : i32
          %dma_wait3A_291 = arith.constant 0 : i32
          %dma_wait3A_292 = tpu.memref_slice %arg2[%dma_wait3A_290, %dma_wait3A_291] : memref<8192x256xf32, #tpu.memory_space<hbm>> -> memref<8192x256xf32, #tpu.memory_space<hbm>>
          tpu.wait_indirect_dma semaphore(%run_scoped3A_264 : memref<!tpu.dma_semaphore, #tpu.memory_space<semaphore_mem>>) src(%dma_wait3A_292 : memref<8192x256xf32, #tpu.memory_space<hbm>>) dst(%dma_wait3A_282 : memref<128x256xf32, #tpu.memory_space<vmem>>)
          tpu.yield
        }) : () -> ()
        "tpu.trace_stop"() : () -> ()
        %ne3A_199 = arith.cmpi ne, %add3A_131, %add3A_149 : i32
        %or3A_200 = arith.constant false
        %or3A_201 = arith.ori %or3A_200, %ne3A_199 : i1
        %or3A_202 = arith.ori %or3A_201, %eq3A_130 : i1
        %convert_element_type3A_203 = arith.extui %or3A_202 : i1 to i32
        %cond3A_204 = arith.constant 0 : i32
        %cond3A_205 = arith.cmpi ne, %convert_element_type3A_203, %cond3A_204 : i32
        scf.if %cond3A_205 {
        } else {
        }
        %and3A_206 = arith.constant false
        %and3A_207 = arith.andi %or3A_202, %and3A_206 : i1
        %ne3A_208 = arith.cmpi ne, %add3A_131, %add3A_149 : i32
        %or3A_209 = arith.constant false
        %or3A_210 = arith.ori %or3A_209, %ne3A_208 : i1
        %or3A_211 = arith.constant false
        %or3A_212 = arith.ori %or3A_210, %or3A_211 : i1
        %or3A_213 = arith.ori %or3A_212, %eq3A_130 : i1
        %convert_element_type3A_214 = arith.extui %or3A_213 : i1 to i32
        %cond3A_215 = arith.constant 0 : i32
        %cond3A_216 = arith.cmpi ne, %convert_element_type3A_214, %cond3A_215 : i32
        scf.if %cond3A_216 {
          "tpu.trace_start"() <{level = 10 : i32, message = "ep_copy_out"}> : () -> ()
          %rem3A_264 = arith.constant 2 : i32
          %rem3A_265 = arith.remui %scan3A_124, %rem3A_264 : i32
          %mul3A_266 = arith.constant 128 : i32
          %mul3A_267 = arith.muli %mul3A_266, %add3A_131 : i32
          %dma_start3A_268 = arith.constant 0 : i32
          %dma_start3A_269 = arith.constant 0 : i32
          %dma_start3A_270 = tpu.memref_slice %run_scoped3A_8[%rem3A_265, %dma_start3A_268, %dma_start3A_269] : memref<2x128x256xf32, #tpu.memory_space<vmem>> -> memref<1x128x256xf32, #tpu.memory_space<vmem>>
          %dma_start3A_271 = tpu.memref_squeeze %dma_start3A_270 : memref<1x128x256xf32, #tpu.memory_space<vmem>> -> memref<128x256xf32, #tpu.memory_space<vmem>>
          %dma_start3A_272 = arith.constant 0 : i32
          %dma_start3A_273 = tpu.memref_slice %arg4[%mul3A_267, %dma_start3A_272] : memref<8192x256xf32, #tpu.memory_space<hbm>> -> memref<128x256xf32, #tpu.memory_space<hbm>>
          %dma_start3A_274 = tpu.memref_slice %run_scoped3A_9[%rem3A_265] : memref<2x!tpu.dma_semaphore, #tpu.memory_space<semaphore_mem>> -> memref<1x!tpu.dma_semaphore, #tpu.memory_space<semaphore_mem>>
          %dma_start3A_275 = tpu.memref_squeeze %dma_start3A_274 : memref<1x!tpu.dma_semaphore, #tpu.memory_space<semaphore_mem>> -> memref<!tpu.dma_semaphore, #tpu.memory_space<semaphore_mem>>
          %dma_start3A_276 = arith.constant 0 : i32
          %dma_start3A_277 = tpu.memref_slice %arg4[%mul3A_267, %dma_start3A_276] : memref<8192x256xf32, #tpu.memory_space<hbm>> -> memref<128x256xf32, #tpu.memory_space<hbm>>
          %dma_start3A_278 = arith.constant 0 : i32
          %dma_start3A_279 = arith.constant 0 : i32
          %dma_start3A_280 = tpu.memref_slice %run_scoped3A_8[%rem3A_265, %dma_start3A_278, %dma_start3A_279] : memref<2x128x256xf32, #tpu.memory_space<vmem>> -> memref<1x128x256xf32, #tpu.memory_space<vmem>>
          %dma_start3A_281 = tpu.memref_squeeze %dma_start3A_280 : memref<1x128x256xf32, #tpu.memory_space<vmem>> -> memref<128x256xf32, #tpu.memory_space<vmem>>
          tpu.enqueue_dma source(%dma_start3A_281 : memref<128x256xf32, #tpu.memory_space<vmem>>) target(%dma_start3A_277 : memref<128x256xf32, #tpu.memory_space<hbm>>) target_semaphore(%dma_start3A_275 : memref<!tpu.dma_semaphore, #tpu.memory_space<semaphore_mem>>)
          "tpu.trace_stop"() : () -> ()
        } else {
        }
        %and3A_217 = arith.constant true
        %and3A_218 = arith.andi %or3A_213, %and3A_217 : i1
        %add3A_219 = arith.constant 1 : i32
        %add3A_220 = arith.addi %scan3A_124, %add3A_219 : i32
        %select_n3A_221 = arith.select %and3A_218, %add3A_220, %scan3A_124 : i32
        %ne3A_222 = arith.cmpi ne, %add3A_131, %add3A_140 : i32
        %or3A_223 = arith.constant false
        %or3A_224 = arith.ori %or3A_223, %ne3A_222 : i1
        %not3A_225 = arith.constant true
        %not3A_226 = arith.xori %eq3A_128, %not3A_225 : i1
        %and3A_227 = arith.andi %or3A_224, %not3A_226 : i1
        %convert_element_type3A_228 = arith.extui %and3A_227 : i1 to i32
        %cond3A_229 = arith.constant 0 : i32
        %cond3A_230 = arith.cmpi ne, %convert_element_type3A_228, %cond3A_229 : i32
        scf.if %cond3A_230 {
        } else {
        }
        %and3A_231 = arith.constant false
        %and3A_232 = arith.andi %and3A_227, %and3A_231 : i1
        %ne3A_233 = arith.cmpi ne, %add3A_131, %add3A_140 : i32
        %or3A_234 = arith.constant false
        %or3A_235 = arith.ori %or3A_234, %ne3A_233 : i1
        %or3A_236 = arith.constant false
        %or3A_237 = arith.ori %or3A_235, %or3A_236 : i1
        %not3A_238 = arith.constant true
        %not3A_239 = arith.xori %eq3A_128, %not3A_238 : i1
        %and3A_240 = arith.andi %or3A_237, %not3A_239 : i1
        %convert_element_type3A_241 = arith.extui %and3A_240 : i1 to i32
        %cond3A_242 = arith.constant 0 : i32
        %cond3A_243 = arith.cmpi ne, %convert_element_type3A_241, %cond3A_242 : i32
        scf.if %cond3A_243 {
          "tpu.trace_start"() <{level = 10 : i32, message = "ep_wait_out"}> : () -> ()
          %rem3A_264 = arith.constant 2 : i32
          %rem3A_265 = arith.remui %scan3A_125, %rem3A_264 : i32
          %mul3A_266 = arith.constant 128 : i32
          %mul3A_267 = arith.muli %mul3A_266, %add3A_140 : i32
          %dma_wait3A_268 = arith.constant 0 : i32
          %dma_wait3A_269 = arith.constant 0 : i32
          %dma_wait3A_270 = tpu.memref_slice %run_scoped3A_8[%rem3A_265, %dma_wait3A_268, %dma_wait3A_269] : memref<2x128x256xf32, #tpu.memory_space<vmem>> -> memref<1x128x256xf32, #tpu.memory_space<vmem>>
          %dma_wait3A_271 = tpu.memref_squeeze %dma_wait3A_270 : memref<1x128x256xf32, #tpu.memory_space<vmem>> -> memref<128x256xf32, #tpu.memory_space<vmem>>
          %dma_wait3A_272 = arith.constant 0 : i32
          %dma_wait3A_273 = tpu.memref_slice %arg4[%mul3A_267, %dma_wait3A_272] : memref<8192x256xf32, #tpu.memory_space<hbm>> -> memref<128x256xf32, #tpu.memory_space<hbm>>
          %dma_wait3A_274 = tpu.memref_slice %run_scoped3A_9[%rem3A_265] : memref<2x!tpu.dma_semaphore, #tpu.memory_space<semaphore_mem>> -> memref<1x!tpu.dma_semaphore, #tpu.memory_space<semaphore_mem>>
          %dma_wait3A_275 = tpu.memref_squeeze %dma_wait3A_274 : memref<1x!tpu.dma_semaphore, #tpu.memory_space<semaphore_mem>> -> memref<!tpu.dma_semaphore, #tpu.memory_space<semaphore_mem>>
          %dma_wait3A_276 = arith.constant 0 : i32
          %dma_wait3A_277 = tpu.memref_slice %arg4[%mul3A_267, %dma_wait3A_276] : memref<8192x256xf32, #tpu.memory_space<hbm>> -> memref<128x256xf32, #tpu.memory_space<hbm>>
          %dma_wait3A_278 = arith.constant 0 : i32
          %dma_wait3A_279 = arith.constant 0 : i32
          %dma_wait3A_280 = tpu.memref_slice %run_scoped3A_8[%rem3A_265, %dma_wait3A_278, %dma_wait3A_279] : memref<2x128x256xf32, #tpu.memory_space<vmem>> -> memref<1x128x256xf32, #tpu.memory_space<vmem>>
          %dma_wait3A_281 = tpu.memref_squeeze %dma_wait3A_280 : memref<1x128x256xf32, #tpu.memory_space<vmem>> -> memref<128x256xf32, #tpu.memory_space<vmem>>
          tpu.wait_dma2 semaphore(%dma_wait3A_275 : memref<!tpu.dma_semaphore, #tpu.memory_space<semaphore_mem>>) src(%dma_wait3A_281 : memref<128x256xf32, #tpu.memory_space<vmem>>) dst(%dma_wait3A_277 : memref<128x256xf32, #tpu.memory_space<hbm>>)
          "tpu.trace_stop"() : () -> ()
        } else {
        }
        %and3A_244 = arith.constant true
        %and3A_245 = arith.andi %and3A_240, %and3A_244 : i1
        %add3A_246 = arith.constant 1 : i32
        %add3A_247 = arith.addi %scan3A_125, %add3A_246 : i32
        %select_n3A_248 = arith.select %and3A_245, %add3A_247, %scan3A_125 : i32
        %ne3A_249 = arith.cmpi ne, %add3A_131, %add3A_149 : i32
        %or3A_250 = arith.constant false
        %or3A_251 = arith.ori %or3A_250, %ne3A_249 : i1
        %or3A_252 = arith.ori %or3A_251, %eq3A_130 : i1
        %add3A_253 = arith.constant 1 : i32
        %add3A_254 = arith.addi %scan3A_123, %add3A_253 : i32
        %select_n3A_255 = arith.select %or3A_252, %add3A_254, %scan3A_123 : i32
        %add3A_256 = arith.constant 1 : i32
        %add3A_257 = arith.addi %scan3A_126, %add3A_256 : i32
        %select_n3A_258 = arith.constant true
        %select_n3A_259 = arith.select %select_n3A_258, %add3A_257, %scan3A_126 : i32
        %eq3A_260 = arith.constant 2 : i32
        %eq3A_261 = arith.cmpi eq, %select_n3A_259, %eq3A_260 : i32
        %select_n3A_262 = arith.constant 0 : i32
        %select_n3A_263 = arith.select %eq3A_261, %select_n3A_262, %select_n3A_259 : i32
        scf.yield %select_n3A_167, %select_n3A_255, %select_n3A_221, %select_n3A_248, %select_n3A_263 : i32, i32, i32, i32, i32
      }
      %scan3A_68 = arith.constant 2 : i32
      %sub3A = arith.constant 1 : i32
      %sub3A_69 = arith.subi %scan3A_67#4, %sub3A : i32
      %select_n3A_70 = arith.constant true
      %select_n3A_71 = arith.select %select_n3A_70, %sub3A_69, %scan3A_67#4 : i32
      %eq3A_72 = arith.constant -1 : i32
      %eq3A_73 = arith.cmpi eq, %select_n3A_71, %eq3A_72 : i32
      %select_n3A_74 = arith.constant 1 : i32
      %select_n3A_75 = arith.select %eq3A_73, %select_n3A_74, %select_n3A_71 : i32
      %add3A_76 = arith.addi %select_n3A_75, %mul3A_6 : i32
      %sub3A_77 = arith.constant 1 : i32
      %sub3A_78 = arith.subi %select_n3A_75, %sub3A_77 : i32
      %select_n3A_79 = arith.constant true
      %select_n3A_80 = arith.select %select_n3A_79, %sub3A_78, %select_n3A_75 : i32
      %eq3A_81 = arith.constant -1 : i32
      %eq3A_82 = arith.cmpi eq, %select_n3A_80, %eq3A_81 : i32
      %select_n3A_83 = arith.constant 1 : i32
      %select_n3A_84 = arith.select %eq3A_82, %select_n3A_83, %select_n3A_80 : i32
      %add3A_85 = arith.addi %select_n3A_84, %mul3A_6 : i32
      %add3A_86 = arith.constant 1 : i32
      %add3A_87 = arith.addi %select_n3A_75, %add3A_86 : i32
      %select_n3A_88 = arith.constant true
      %select_n3A_89 = arith.select %select_n3A_88, %add3A_87, %select_n3A_75 : i32
      %eq3A_90 = arith.constant 2 : i32
      %eq3A_91 = arith.cmpi eq, %select_n3A_89, %eq3A_90 : i32
      %select_n3A_92 = arith.constant 0 : i32
      %select_n3A_93 = arith.select %eq3A_91, %select_n3A_92, %select_n3A_89 : i32
      %add3A_94 = arith.addi %select_n3A_93, %mul3A_6 : i32
      %add3A_95 = arith.constant 1 : i32
      %add3A_96 = arith.addi %select_n3A_93, %add3A_95 : i32
      %select_n3A_97 = arith.constant true
      %select_n3A_98 = arith.select %select_n3A_97, %add3A_96, %select_n3A_93 : i32
      %eq3A_99 = arith.constant 2 : i32
      %eq3A_100 = arith.cmpi eq, %select_n3A_98, %eq3A_99 : i32
      %select_n3A_101 = arith.constant 0 : i32
      %select_n3A_102 = arith.select %eq3A_100, %select_n3A_101, %select_n3A_98 : i32
      %add3A_103 = arith.addi %select_n3A_102, %mul3A_6 : i32
      "tpu.trace_start"() <{level = 10 : i32, message = "ep_finalize"}> : () -> ()
      %rem3A_104 = arith.constant 2 : i32
      %rem3A_105 = arith.remui %scan3A_67#3, %rem3A_104 : i32
      %mul3A_106 = arith.constant 128 : i32
      %mul3A_107 = arith.muli %mul3A_106, %add3A_76 : i32
      %dma_wait3A = arith.constant 0 : i32
      %dma_wait3A_108 = arith.constant 0 : i32
      %dma_wait3A_109 = tpu.memref_slice %run_scoped3A_8[%rem3A_105, %dma_wait3A, %dma_wait3A_108] : memref<2x128x256xf32, #tpu.memory_space<vmem>> -> memref<1x128x256xf32, #tpu.memory_space<vmem>>
      %dma_wait3A_110 = tpu.memref_squeeze %dma_wait3A_109 : memref<1x128x256xf32, #tpu.memory_space<vmem>> -> memref<128x256xf32, #tpu.memory_space<vmem>>
      %dma_wait3A_111 = arith.constant 0 : i32
      %dma_wait3A_112 = tpu.memref_slice %arg4[%mul3A_107, %dma_wait3A_111] : memref<8192x256xf32, #tpu.memory_space<hbm>> -> memref<128x256xf32, #tpu.memory_space<hbm>>
      %dma_wait3A_113 = tpu.memref_slice %run_scoped3A_9[%rem3A_105] : memref<2x!tpu.dma_semaphore, #tpu.memory_space<semaphore_mem>> -> memref<1x!tpu.dma_semaphore, #tpu.memory_space<semaphore_mem>>
      %dma_wait3A_114 = tpu.memref_squeeze %dma_wait3A_113 : memref<1x!tpu.dma_semaphore, #tpu.memory_space<semaphore_mem>> -> memref<!tpu.dma_semaphore, #tpu.memory_space<semaphore_mem>>
      %dma_wait3A_115 = arith.constant 0 : i32
      %dma_wait3A_116 = tpu.memref_slice %arg4[%mul3A_107, %dma_wait3A_115] : memref<8192x256xf32, #tpu.memory_space<hbm>> -> memref<128x256xf32, #tpu.memory_space<hbm>>
      %dma_wait3A_117 = arith.constant 0 : i32
      %dma_wait3A_118 = arith.constant 0 : i32
      %dma_wait3A_119 = tpu.memref_slice %run_scoped3A_8[%rem3A_105, %dma_wait3A_117, %dma_wait3A_118] : memref<2x128x256xf32, #tpu.memory_space<vmem>> -> memref<1x128x256xf32, #tpu.memory_space<vmem>>
      %dma_wait3A_120 = tpu.memref_squeeze %dma_wait3A_119 : memref<1x128x256xf32, #tpu.memory_space<vmem>> -> memref<128x256xf32, #tpu.memory_space<vmem>>
      tpu.wait_dma2 semaphore(%dma_wait3A_114 : memref<!tpu.dma_semaphore, #tpu.memory_space<semaphore_mem>>) src(%dma_wait3A_120 : memref<128x256xf32, #tpu.memory_space<vmem>>) dst(%dma_wait3A_116 : memref<128x256xf32, #tpu.memory_space<hbm>>)
      "tpu.trace_stop"() : () -> ()
      tpu.yield
    }) : () -> ()
    return
  }
}

module attributes {stable_mosaic.version = 14 : i64} {
  func.func @_argmin_body(%arg0: i32, %arg1: memref<1024x256xf32, #tpu.memory_space<vmem>>, %arg2: memref<8192x256xf32, #tpu.memory_space<vmem>>, %arg3: memref<1024x1xi32, #tpu.memory_space<vmem>>, %arg4: memref<1x8192xf32, #tpu.memory_space<vmem>>) attributes {dimension_semantics = [#tpu.dimension_semantics<arbitrary>], iteration_bounds = array<i64: 8>, scalar_prefetch = 0 : i64, scratch_operands = 1 : i64, tpu.core_type = #tpu.core_type<tc>, window_params = [{transform_indices = @transform_0, window_bounds = array<i64: 1024, 256>}, {pipeline_mode = #tpu.pipeline_mode<synchronous>, transform_indices = @transform_1, window_bounds = array<i64: 8192, 256>}, {transform_indices = @transform_2, window_bounds = array<i64: 1024, 1>}]} {
    %get3A = arith.constant 0 : index
    %get3A_0 = arith.constant 0 : index
    %get3A_1 = vector.load %arg1[%get3A, %get3A_0] : memref<1024x256xf32, #tpu.memory_space<vmem>>, vector<1024x256xf32>
    %mul3A = arith.mulf %get3A_1, %get3A_1 : vector<1024x256xf32>
    %reduce_sum3A = arith.constant dense<0.000000e+00> : vector<1024xf32>
    %reduce_sum3A_2 = vector.multi_reduction <add>, %mul3A, %reduce_sum3A [1] : vector<1024x256xf32> to vector<1024xf32>
    %broadcast_in_dim3A = vector.shape_cast %reduce_sum3A_2 : vector<1024xf32> to vector<1024x1xf32>
    %eq3A = arith.constant 0 : i32
    %eq3A_3 = arith.cmpi eq, %arg0, %eq3A : i32
    %convert_element_type3A = arith.extui %eq3A_3 : i1 to i32
    %cond3A = arith.constant 0 : i32
    %cond3A_4 = arith.cmpi ne, %convert_element_type3A, %cond3A : i32
    scf.if %cond3A_4 {
      %get3A_555 = arith.constant 0 : index
      %get3A_556 = arith.constant 0 : index
      %get3A_557 = vector.load %arg2[%get3A_555, %get3A_556] : memref<8192x256xf32, #tpu.memory_space<vmem>>, vector<512x256xf32>
      %mul3A_558 = arith.mulf %get3A_557, %get3A_557 : vector<512x256xf32>
      %reduce_sum3A_559 = arith.constant dense<0.000000e+00> : vector<512xf32>
      %reduce_sum3A_560 = vector.multi_reduction <add>, %mul3A_558, %reduce_sum3A_559 [1] : vector<512x256xf32> to vector<512xf32>
      %broadcast_in_dim3A_561 = vector.shape_cast %reduce_sum3A_560 : vector<512xf32> to vector<1x512xf32>
      %swap3A_562 = arith.constant 0 : index
      %swap3A_563 = arith.constant 0 : index
      %swap3A_564 = vector.load %arg4[%swap3A_562, %swap3A_563] : memref<1x8192xf32, #tpu.memory_space<vmem>>, vector<1x512xf32>
      tpu.vector_store %arg4[%swap3A_562, %swap3A_563], %broadcast_in_dim3A_561 {strides = array<i32>} : memref<1x8192xf32, #tpu.memory_space<vmem>>, vector<1x512xf32>,
      %get3A_565 = arith.constant 512 : index
      %get3A_566 = arith.constant 0 : index
      %get3A_567 = vector.load %arg2[%get3A_565, %get3A_566] : memref<8192x256xf32, #tpu.memory_space<vmem>>, vector<512x256xf32>
      %mul3A_568 = arith.mulf %get3A_567, %get3A_567 : vector<512x256xf32>
      %reduce_sum3A_569 = arith.constant dense<0.000000e+00> : vector<512xf32>
      %reduce_sum3A_570 = vector.multi_reduction <add>, %mul3A_568, %reduce_sum3A_569 [1] : vector<512x256xf32> to vector<512xf32>
      %broadcast_in_dim3A_571 = vector.shape_cast %reduce_sum3A_570 : vector<512xf32> to vector<1x512xf32>
      %swap3A_572 = arith.constant 0 : index
      %swap3A_573 = arith.constant 512 : index
      %swap3A_574 = vector.load %arg4[%swap3A_572, %swap3A_573] : memref<1x8192xf32, #tpu.memory_space<vmem>>, vector<1x512xf32>
      tpu.vector_store %arg4[%swap3A_572, %swap3A_573], %broadcast_in_dim3A_571 {strides = array<i32>} : memref<1x8192xf32, #tpu.memory_space<vmem>>, vector<1x512xf32>,
      %get3A_575 = arith.constant 1024 : index
      %get3A_576 = arith.constant 0 : index
      %get3A_577 = vector.load %arg2[%get3A_575, %get3A_576] : memref<8192x256xf32, #tpu.memory_space<vmem>>, vector<512x256xf32>
      %mul3A_578 = arith.mulf %get3A_577, %get3A_577 : vector<512x256xf32>
      %reduce_sum3A_579 = arith.constant dense<0.000000e+00> : vector<512xf32>
      %reduce_sum3A_580 = vector.multi_reduction <add>, %mul3A_578, %reduce_sum3A_579 [1] : vector<512x256xf32> to vector<512xf32>
      %broadcast_in_dim3A_581 = vector.shape_cast %reduce_sum3A_580 : vector<512xf32> to vector<1x512xf32>
      %swap3A_582 = arith.constant 0 : index
      %swap3A_583 = arith.constant 1024 : index
      %swap3A_584 = vector.load %arg4[%swap3A_582, %swap3A_583] : memref<1x8192xf32, #tpu.memory_space<vmem>>, vector<1x512xf32>
      tpu.vector_store %arg4[%swap3A_582, %swap3A_583], %broadcast_in_dim3A_581 {strides = array<i32>} : memref<1x8192xf32, #tpu.memory_space<vmem>>, vector<1x512xf32>,
      %get3A_585 = arith.constant 1536 : index
      %get3A_586 = arith.constant 0 : index
      %get3A_587 = vector.load %arg2[%get3A_585, %get3A_586] : memref<8192x256xf32, #tpu.memory_space<vmem>>, vector<512x256xf32>
      %mul3A_588 = arith.mulf %get3A_587, %get3A_587 : vector<512x256xf32>
      %reduce_sum3A_589 = arith.constant dense<0.000000e+00> : vector<512xf32>
      %reduce_sum3A_590 = vector.multi_reduction <add>, %mul3A_588, %reduce_sum3A_589 [1] : vector<512x256xf32> to vector<512xf32>
      %broadcast_in_dim3A_591 = vector.shape_cast %reduce_sum3A_590 : vector<512xf32> to vector<1x512xf32>
      %swap3A_592 = arith.constant 0 : index
      %swap3A_593 = arith.constant 1536 : index
      %swap3A_594 = vector.load %arg4[%swap3A_592, %swap3A_593] : memref<1x8192xf32, #tpu.memory_space<vmem>>, vector<1x512xf32>
      tpu.vector_store %arg4[%swap3A_592, %swap3A_593], %broadcast_in_dim3A_591 {strides = array<i32>} : memref<1x8192xf32, #tpu.memory_space<vmem>>, vector<1x512xf32>,
      %get3A_595 = arith.constant 2048 : index
      %get3A_596 = arith.constant 0 : index
      %get3A_597 = vector.load %arg2[%get3A_595, %get3A_596] : memref<8192x256xf32, #tpu.memory_space<vmem>>, vector<512x256xf32>
      %mul3A_598 = arith.mulf %get3A_597, %get3A_597 : vector<512x256xf32>
      %reduce_sum3A_599 = arith.constant dense<0.000000e+00> : vector<512xf32>
      %reduce_sum3A_600 = vector.multi_reduction <add>, %mul3A_598, %reduce_sum3A_599 [1] : vector<512x256xf32> to vector<512xf32>
      %broadcast_in_dim3A_601 = vector.shape_cast %reduce_sum3A_600 : vector<512xf32> to vector<1x512xf32>
      %swap3A_602 = arith.constant 0 : index
      %swap3A_603 = arith.constant 2048 : index
      %swap3A_604 = vector.load %arg4[%swap3A_602, %swap3A_603] : memref<1x8192xf32, #tpu.memory_space<vmem>>, vector<1x512xf32>
      tpu.vector_store %arg4[%swap3A_602, %swap3A_603], %broadcast_in_dim3A_601 {strides = array<i32>} : memref<1x8192xf32, #tpu.memory_space<vmem>>, vector<1x512xf32>,
      %get3A_605 = arith.constant 2560 : index
      %get3A_606 = arith.constant 0 : index
      %get3A_607 = vector.load %arg2[%get3A_605, %get3A_606] : memref<8192x256xf32, #tpu.memory_space<vmem>>, vector<512x256xf32>
      %mul3A_608 = arith.mulf %get3A_607, %get3A_607 : vector<512x256xf32>
      %reduce_sum3A_609 = arith.constant dense<0.000000e+00> : vector<512xf32>
      %reduce_sum3A_610 = vector.multi_reduction <add>, %mul3A_608, %reduce_sum3A_609 [1] : vector<512x256xf32> to vector<512xf32>
      %broadcast_in_dim3A_611 = vector.shape_cast %reduce_sum3A_610 : vector<512xf32> to vector<1x512xf32>
      %swap3A_612 = arith.constant 0 : index
      %swap3A_613 = arith.constant 2560 : index
      %swap3A_614 = vector.load %arg4[%swap3A_612, %swap3A_613] : memref<1x8192xf32, #tpu.memory_space<vmem>>, vector<1x512xf32>
      tpu.vector_store %arg4[%swap3A_612, %swap3A_613], %broadcast_in_dim3A_611 {strides = array<i32>} : memref<1x8192xf32, #tpu.memory_space<vmem>>, vector<1x512xf32>,
      %get3A_615 = arith.constant 3072 : index
      %get3A_616 = arith.constant 0 : index
      %get3A_617 = vector.load %arg2[%get3A_615, %get3A_616] : memref<8192x256xf32, #tpu.memory_space<vmem>>, vector<512x256xf32>
      %mul3A_618 = arith.mulf %get3A_617, %get3A_617 : vector<512x256xf32>
      %reduce_sum3A_619 = arith.constant dense<0.000000e+00> : vector<512xf32>
      %reduce_sum3A_620 = vector.multi_reduction <add>, %mul3A_618, %reduce_sum3A_619 [1] : vector<512x256xf32> to vector<512xf32>
      %broadcast_in_dim3A_621 = vector.shape_cast %reduce_sum3A_620 : vector<512xf32> to vector<1x512xf32>
      %swap3A_622 = arith.constant 0 : index
      %swap3A_623 = arith.constant 3072 : index
      %swap3A_624 = vector.load %arg4[%swap3A_622, %swap3A_623] : memref<1x8192xf32, #tpu.memory_space<vmem>>, vector<1x512xf32>
      tpu.vector_store %arg4[%swap3A_622, %swap3A_623], %broadcast_in_dim3A_621 {strides = array<i32>} : memref<1x8192xf32, #tpu.memory_space<vmem>>, vector<1x512xf32>,
      %get3A_625 = arith.constant 3584 : index
      %get3A_626 = arith.constant 0 : index
      %get3A_627 = vector.load %arg2[%get3A_625, %get3A_626] : memref<8192x256xf32, #tpu.memory_space<vmem>>, vector<512x256xf32>
      %mul3A_628 = arith.mulf %get3A_627, %get3A_627 : vector<512x256xf32>
      %reduce_sum3A_629 = arith.constant dense<0.000000e+00> : vector<512xf32>
      %reduce_sum3A_630 = vector.multi_reduction <add>, %mul3A_628, %reduce_sum3A_629 [1] : vector<512x256xf32> to vector<512xf32>
      %broadcast_in_dim3A_631 = vector.shape_cast %reduce_sum3A_630 : vector<512xf32> to vector<1x512xf32>
      %swap3A_632 = arith.constant 0 : index
      %swap3A_633 = arith.constant 3584 : index
      %swap3A_634 = vector.load %arg4[%swap3A_632, %swap3A_633] : memref<1x8192xf32, #tpu.memory_space<vmem>>, vector<1x512xf32>
      tpu.vector_store %arg4[%swap3A_632, %swap3A_633], %broadcast_in_dim3A_631 {strides = array<i32>} : memref<1x8192xf32, #tpu.memory_space<vmem>>, vector<1x512xf32>,
      %get3A_635 = arith.constant 4096 : index
      %get3A_636 = arith.constant 0 : index
      %get3A_637 = vector.load %arg2[%get3A_635, %get3A_636] : memref<8192x256xf32, #tpu.memory_space<vmem>>, vector<512x256xf32>
      %mul3A_638 = arith.mulf %get3A_637, %get3A_637 : vector<512x256xf32>
      %reduce_sum3A_639 = arith.constant dense<0.000000e+00> : vector<512xf32>
      %reduce_sum3A_640 = vector.multi_reduction <add>, %mul3A_638, %reduce_sum3A_639 [1] : vector<512x256xf32> to vector<512xf32>
      %broadcast_in_dim3A_641 = vector.shape_cast %reduce_sum3A_640 : vector<512xf32> to vector<1x512xf32>
      %swap3A_642 = arith.constant 0 : index
      %swap3A_643 = arith.constant 4096 : index
      %swap3A_644 = vector.load %arg4[%swap3A_642, %swap3A_643] : memref<1x8192xf32, #tpu.memory_space<vmem>>, vector<1x512xf32>
      tpu.vector_store %arg4[%swap3A_642, %swap3A_643], %broadcast_in_dim3A_641 {strides = array<i32>} : memref<1x8192xf32, #tpu.memory_space<vmem>>, vector<1x512xf32>,
      %get3A_645 = arith.constant 4608 : index
      %get3A_646 = arith.constant 0 : index
      %get3A_647 = vector.load %arg2[%get3A_645, %get3A_646] : memref<8192x256xf32, #tpu.memory_space<vmem>>, vector<512x256xf32>
      %mul3A_648 = arith.mulf %get3A_647, %get3A_647 : vector<512x256xf32>
      %reduce_sum3A_649 = arith.constant dense<0.000000e+00> : vector<512xf32>
      %reduce_sum3A_650 = vector.multi_reduction <add>, %mul3A_648, %reduce_sum3A_649 [1] : vector<512x256xf32> to vector<512xf32>
      %broadcast_in_dim3A_651 = vector.shape_cast %reduce_sum3A_650 : vector<512xf32> to vector<1x512xf32>
      %swap3A_652 = arith.constant 0 : index
      %swap3A_653 = arith.constant 4608 : index
      %swap3A_654 = vector.load %arg4[%swap3A_652, %swap3A_653] : memref<1x8192xf32, #tpu.memory_space<vmem>>, vector<1x512xf32>
      tpu.vector_store %arg4[%swap3A_652, %swap3A_653], %broadcast_in_dim3A_651 {strides = array<i32>} : memref<1x8192xf32, #tpu.memory_space<vmem>>, vector<1x512xf32>,
      %get3A_655 = arith.constant 5120 : index
      %get3A_656 = arith.constant 0 : index
      %get3A_657 = vector.load %arg2[%get3A_655, %get3A_656] : memref<8192x256xf32, #tpu.memory_space<vmem>>, vector<512x256xf32>
      %mul3A_658 = arith.mulf %get3A_657, %get3A_657 : vector<512x256xf32>
      %reduce_sum3A_659 = arith.constant dense<0.000000e+00> : vector<512xf32>
      %reduce_sum3A_660 = vector.multi_reduction <add>, %mul3A_658, %reduce_sum3A_659 [1] : vector<512x256xf32> to vector<512xf32>
      %broadcast_in_dim3A_661 = vector.shape_cast %reduce_sum3A_660 : vector<512xf32> to vector<1x512xf32>
      %swap3A_662 = arith.constant 0 : index
      %swap3A_663 = arith.constant 5120 : index
      %swap3A_664 = vector.load %arg4[%swap3A_662, %swap3A_663] : memref<1x8192xf32, #tpu.memory_space<vmem>>, vector<1x512xf32>
      tpu.vector_store %arg4[%swap3A_662, %swap3A_663], %broadcast_in_dim3A_661 {strides = array<i32>} : memref<1x8192xf32, #tpu.memory_space<vmem>>, vector<1x512xf32>,
      %get3A_665 = arith.constant 5632 : index
      %get3A_666 = arith.constant 0 : index
      %get3A_667 = vector.load %arg2[%get3A_665, %get3A_666] : memref<8192x256xf32, #tpu.memory_space<vmem>>, vector<512x256xf32>
      %mul3A_668 = arith.mulf %get3A_667, %get3A_667 : vector<512x256xf32>
      %reduce_sum3A_669 = arith.constant dense<0.000000e+00> : vector<512xf32>
      %reduce_sum3A_670 = vector.multi_reduction <add>, %mul3A_668, %reduce_sum3A_669 [1] : vector<512x256xf32> to vector<512xf32>
      %broadcast_in_dim3A_671 = vector.shape_cast %reduce_sum3A_670 : vector<512xf32> to vector<1x512xf32>
      %swap3A_672 = arith.constant 0 : index
      %swap3A_673 = arith.constant 5632 : index
      %swap3A_674 = vector.load %arg4[%swap3A_672, %swap3A_673] : memref<1x8192xf32, #tpu.memory_space<vmem>>, vector<1x512xf32>
      tpu.vector_store %arg4[%swap3A_672, %swap3A_673], %broadcast_in_dim3A_671 {strides = array<i32>} : memref<1x8192xf32, #tpu.memory_space<vmem>>, vector<1x512xf32>,
      %get3A_675 = arith.constant 6144 : index
      %get3A_676 = arith.constant 0 : index
      %get3A_677 = vector.load %arg2[%get3A_675, %get3A_676] : memref<8192x256xf32, #tpu.memory_space<vmem>>, vector<512x256xf32>
      %mul3A_678 = arith.mulf %get3A_677, %get3A_677 : vector<512x256xf32>
      %reduce_sum3A_679 = arith.constant dense<0.000000e+00> : vector<512xf32>
      %reduce_sum3A_680 = vector.multi_reduction <add>, %mul3A_678, %reduce_sum3A_679 [1] : vector<512x256xf32> to vector<512xf32>
      %broadcast_in_dim3A_681 = vector.shape_cast %reduce_sum3A_680 : vector<512xf32> to vector<1x512xf32>
      %swap3A_682 = arith.constant 0 : index
      %swap3A_683 = arith.constant 6144 : index
      %swap3A_684 = vector.load %arg4[%swap3A_682, %swap3A_683] : memref<1x8192xf32, #tpu.memory_space<vmem>>, vector<1x512xf32>
      tpu.vector_store %arg4[%swap3A_682, %swap3A_683], %broadcast_in_dim3A_681 {strides = array<i32>} : memref<1x8192xf32, #tpu.memory_space<vmem>>, vector<1x512xf32>,
      %get3A_685 = arith.constant 6656 : index
      %get3A_686 = arith.constant 0 : index
      %get3A_687 = vector.load %arg2[%get3A_685, %get3A_686] : memref<8192x256xf32, #tpu.memory_space<vmem>>, vector<512x256xf32>
      %mul3A_688 = arith.mulf %get3A_687, %get3A_687 : vector<512x256xf32>
      %reduce_sum3A_689 = arith.constant dense<0.000000e+00> : vector<512xf32>
      %reduce_sum3A_690 = vector.multi_reduction <add>, %mul3A_688, %reduce_sum3A_689 [1] : vector<512x256xf32> to vector<512xf32>
      %broadcast_in_dim3A_691 = vector.shape_cast %reduce_sum3A_690 : vector<512xf32> to vector<1x512xf32>
      %swap3A_692 = arith.constant 0 : index
      %swap3A_693 = arith.constant 6656 : index
      %swap3A_694 = vector.load %arg4[%swap3A_692, %swap3A_693] : memref<1x8192xf32, #tpu.memory_space<vmem>>, vector<1x512xf32>
      tpu.vector_store %arg4[%swap3A_692, %swap3A_693], %broadcast_in_dim3A_691 {strides = array<i32>} : memref<1x8192xf32, #tpu.memory_space<vmem>>, vector<1x512xf32>,
      %get3A_695 = arith.constant 7168 : index
      %get3A_696 = arith.constant 0 : index
      %get3A_697 = vector.load %arg2[%get3A_695, %get3A_696] : memref<8192x256xf32, #tpu.memory_space<vmem>>, vector<512x256xf32>
      %mul3A_698 = arith.mulf %get3A_697, %get3A_697 : vector<512x256xf32>
      %reduce_sum3A_699 = arith.constant dense<0.000000e+00> : vector<512xf32>
      %reduce_sum3A_700 = vector.multi_reduction <add>, %mul3A_698, %reduce_sum3A_699 [1] : vector<512x256xf32> to vector<512xf32>
      %broadcast_in_dim3A_701 = vector.shape_cast %reduce_sum3A_700 : vector<512xf32> to vector<1x512xf32>
      %swap3A_702 = arith.constant 0 : index
      %swap3A_703 = arith.constant 7168 : index
      %swap3A_704 = vector.load %arg4[%swap3A_702, %swap3A_703] : memref<1x8192xf32, #tpu.memory_space<vmem>>, vector<1x512xf32>
      tpu.vector_store %arg4[%swap3A_702, %swap3A_703], %broadcast_in_dim3A_701 {strides = array<i32>} : memref<1x8192xf32, #tpu.memory_space<vmem>>, vector<1x512xf32>,
      %get3A_705 = arith.constant 7680 : index
      %get3A_706 = arith.constant 0 : index
      %get3A_707 = vector.load %arg2[%get3A_705, %get3A_706] : memref<8192x256xf32, #tpu.memory_space<vmem>>, vector<512x256xf32>
      %mul3A_708 = arith.mulf %get3A_707, %get3A_707 : vector<512x256xf32>
      %reduce_sum3A_709 = arith.constant dense<0.000000e+00> : vector<512xf32>
      %reduce_sum3A_710 = vector.multi_reduction <add>, %mul3A_708, %reduce_sum3A_709 [1] : vector<512x256xf32> to vector<512xf32>
      %broadcast_in_dim3A_711 = vector.shape_cast %reduce_sum3A_710 : vector<512xf32> to vector<1x512xf32>
      %swap3A_712 = arith.constant 0 : index
      %swap3A_713 = arith.constant 7680 : index
      %swap3A_714 = vector.load %arg4[%swap3A_712, %swap3A_713] : memref<1x8192xf32, #tpu.memory_space<vmem>>, vector<1x512xf32>
      tpu.vector_store %arg4[%swap3A_712, %swap3A_713], %broadcast_in_dim3A_711 {strides = array<i32>} : memref<1x8192xf32, #tpu.memory_space<vmem>>, vector<1x512xf32>,
    } else {
    }
    %broadcast_in_dim3A_5 = arith.constant 0x7F800000 : f32
    %broadcast_in_dim3A_6 = vector.broadcast %broadcast_in_dim3A_5 : f32 to vector<1024x1xf32>
    %broadcast_in_dim3A_7 = arith.constant 0 : i32
    %broadcast_in_dim3A_8 = vector.broadcast %broadcast_in_dim3A_7 : i32 to vector<1024x1xi32>
    %iota3A = tpu.iota {dimensions = array<i32: 1>} : vector<1024x512xi32>
    %convert_element_type3A_9 = arith.sitofp %iota3A : vector<1024x512xi32> to vector<1024x512xf32>
    %convert_element_type3A_10 = arith.truncf %get3A_1 : vector<1024x256xf32> to vector<1024x256xbf16>
    %get3A_11 = arith.constant 0 : index
    %get3A_12 = arith.constant 0 : index
    %get3A_13 = vector.load %arg2[%get3A_11, %get3A_12] : memref<8192x256xf32, #tpu.memory_space<vmem>>, vector<512x256xf32>
    %get3A_14 = arith.constant 0 : index
    %get3A_15 = arith.constant 0 : index
    %get3A_16 = vector.load %arg4[%get3A_14, %get3A_15] : memref<1x8192xf32, #tpu.memory_space<vmem>>, vector<1x512xf32>
    %convert_element_type3A_17 = arith.truncf %get3A_13 : vector<512x256xf32> to vector<512x256xbf16>
    %dot_general3A = arith.constant dense<0.000000e+00> : vector<1024x512xf32>
    %dot_general3A_18 = tpu.matmul %convert_element_type3A_10, %convert_element_type3A_17, %dot_general3A {dimension_numbers = #tpu.dot_dimension_numbers<[1], [1], [0], [0], [0, 0, 1, 0], [], []>, transpose_lhs_hint = false} : vector<1024x256xbf16>, vector<512x256xbf16>, vector<1024x512xf32> -> vector<1024x512xf32>
    %mul3A_19 = arith.constant 2.000000e+00 : f32
    %mul3A_20 = vector.broadcast %mul3A_19 : f32 to vector<1024x512xf32>
    %mul3A_21 = arith.mulf %mul3A_20, %dot_general3A_18 : vector<1024x512xf32>
    %sub3A = vector.broadcast %broadcast_in_dim3A : vector<1024x1xf32> to vector<1024x512xf32>
    %sub3A_22 = arith.subf %sub3A, %mul3A_21 : vector<1024x512xf32>
    %add3A = vector.broadcast %get3A_16 : vector<1x512xf32> to vector<1024x512xf32>
    %add3A_23 = arith.addf %sub3A_22, %add3A : vector<1024x512xf32>
    %reduce_min3A = arith.constant dense<0x7F800000> : vector<1024xf32>
    %reduce_min3A_24 = vector.multi_reduction <minimumf>, %add3A_23, %reduce_min3A [1] : vector<1024x512xf32> to vector<1024xf32>
    %broadcast_in_dim3A_25 = vector.shape_cast %reduce_min3A_24 : vector<1024xf32> to vector<1024x1xf32>
    %eq3A_26 = vector.broadcast %broadcast_in_dim3A_25 : vector<1024x1xf32> to vector<1024x512xf32>
    %eq3A_27 = arith.cmpf oeq, %add3A_23, %eq3A_26 : vector<1024x512xf32>
    %jit3A = arith.constant 8.192000e+03 : f32
    %broadcast_in_dim3A_28 = vector.broadcast %jit3A : f32 to vector<1024x512xf32>
    %select_n3A = arith.select %eq3A_27, %convert_element_type3A_9, %broadcast_in_dim3A_28 : vector<1024x512xi1>, vector<1024x512xf32>
    %reduce_min3A_29 = arith.constant dense<0x7F800000> : vector<1024xf32>
    %reduce_min3A_30 = vector.multi_reduction <minimumf>, %select_n3A, %reduce_min3A_29 [1] : vector<1024x512xf32> to vector<1024xf32>
    %broadcast_in_dim3A_31 = vector.shape_cast %reduce_min3A_30 : vector<1024xf32> to vector<1024x1xf32>
    %lt3A = arith.cmpf olt, %broadcast_in_dim3A_25, %broadcast_in_dim3A_6 : vector<1024x1xf32>
    %convert_element_type3A_32 = arith.fptosi %broadcast_in_dim3A_31 : vector<1024x1xf32> to vector<1024x1xi32>
    %add3A_33 = arith.constant 0 : i32
    %add3A_34 = vector.broadcast %add3A_33 : i32 to vector<1024x1xi32>
    %add3A_35 = arith.addi %convert_element_type3A_32, %add3A_34 : vector<1024x1xi32>
    %select_n3A_36 = arith.select %lt3A, %add3A_35, %broadcast_in_dim3A_8 : vector<1024x1xi1>, vector<1024x1xi32>
    %select_n3A_37 = arith.select %lt3A, %broadcast_in_dim3A_25, %broadcast_in_dim3A_6 : vector<1024x1xi1>, vector<1024x1xf32>
    %get3A_38 = arith.constant 512 : index
    %get3A_39 = arith.constant 0 : index
    %get3A_40 = vector.load %arg2[%get3A_38, %get3A_39] : memref<8192x256xf32, #tpu.memory_space<vmem>>, vector<512x256xf32>
    %get3A_41 = arith.constant 0 : index
    %get3A_42 = arith.constant 512 : index
    %get3A_43 = vector.load %arg4[%get3A_41, %get3A_42] : memref<1x8192xf32, #tpu.memory_space<vmem>>, vector<1x512xf32>
    %convert_element_type3A_44 = arith.truncf %get3A_40 : vector<512x256xf32> to vector<512x256xbf16>
    %dot_general3A_45 = arith.constant dense<0.000000e+00> : vector<1024x512xf32>
    %dot_general3A_46 = tpu.matmul %convert_element_type3A_10, %convert_element_type3A_44, %dot_general3A_45 {dimension_numbers = #tpu.dot_dimension_numbers<[1], [1], [0], [0], [0, 0, 1, 0], [], []>, transpose_lhs_hint = false} : vector<1024x256xbf16>, vector<512x256xbf16>, vector<1024x512xf32> -> vector<1024x512xf32>
    %mul3A_47 = arith.constant 2.000000e+00 : f32
    %mul3A_48 = vector.broadcast %mul3A_47 : f32 to vector<1024x512xf32>
    %mul3A_49 = arith.mulf %mul3A_48, %dot_general3A_46 : vector<1024x512xf32>
    %sub3A_50 = vector.broadcast %broadcast_in_dim3A : vector<1024x1xf32> to vector<1024x512xf32>
    %sub3A_51 = arith.subf %sub3A_50, %mul3A_49 : vector<1024x512xf32>
    %add3A_52 = vector.broadcast %get3A_43 : vector<1x512xf32> to vector<1024x512xf32>
    %add3A_53 = arith.addf %sub3A_51, %add3A_52 : vector<1024x512xf32>
    %reduce_min3A_54 = arith.constant dense<0x7F800000> : vector<1024xf32>
    %reduce_min3A_55 = vector.multi_reduction <minimumf>, %add3A_53, %reduce_min3A_54 [1] : vector<1024x512xf32> to vector<1024xf32>
    %broadcast_in_dim3A_56 = vector.shape_cast %reduce_min3A_55 : vector<1024xf32> to vector<1024x1xf32>
    %eq3A_57 = vector.broadcast %broadcast_in_dim3A_56 : vector<1024x1xf32> to vector<1024x512xf32>
    %eq3A_58 = arith.cmpf oeq, %add3A_53, %eq3A_57 : vector<1024x512xf32>
    %jit3A_59 = arith.constant 8.192000e+03 : f32
    %broadcast_in_dim3A_60 = vector.broadcast %jit3A_59 : f32 to vector<1024x512xf32>
    %select_n3A_61 = arith.select %eq3A_58, %convert_element_type3A_9, %broadcast_in_dim3A_60 : vector<1024x512xi1>, vector<1024x512xf32>
    %reduce_min3A_62 = arith.constant dense<0x7F800000> : vector<1024xf32>
    %reduce_min3A_63 = vector.multi_reduction <minimumf>, %select_n3A_61, %reduce_min3A_62 [1] : vector<1024x512xf32> to vector<1024xf32>
    %broadcast_in_dim3A_64 = vector.shape_cast %reduce_min3A_63 : vector<1024xf32> to vector<1024x1xf32>
    %lt3A_65 = arith.cmpf olt, %broadcast_in_dim3A_56, %select_n3A_37 : vector<1024x1xf32>
    %convert_element_type3A_66 = arith.fptosi %broadcast_in_dim3A_64 : vector<1024x1xf32> to vector<1024x1xi32>
    %add3A_67 = arith.constant 512 : i32
    %add3A_68 = vector.broadcast %add3A_67 : i32 to vector<1024x1xi32>
    %add3A_69 = arith.addi %convert_element_type3A_66, %add3A_68 : vector<1024x1xi32>
    %select_n3A_70 = arith.select %lt3A_65, %add3A_69, %select_n3A_36 : vector<1024x1xi1>, vector<1024x1xi32>
    %select_n3A_71 = arith.select %lt3A_65, %broadcast_in_dim3A_56, %select_n3A_37 : vector<1024x1xi1>, vector<1024x1xf32>
    %get3A_72 = arith.constant 1024 : index
    %get3A_73 = arith.constant 0 : index
    %get3A_74 = vector.load %arg2[%get3A_72, %get3A_73] : memref<8192x256xf32, #tpu.memory_space<vmem>>, vector<512x256xf32>
    %get3A_75 = arith.constant 0 : index
    %get3A_76 = arith.constant 1024 : index
    %get3A_77 = vector.load %arg4[%get3A_75, %get3A_76] : memref<1x8192xf32, #tpu.memory_space<vmem>>, vector<1x512xf32>
    %convert_element_type3A_78 = arith.truncf %get3A_74 : vector<512x256xf32> to vector<512x256xbf16>
    %dot_general3A_79 = arith.constant dense<0.000000e+00> : vector<1024x512xf32>
    %dot_general3A_80 = tpu.matmul %convert_element_type3A_10, %convert_element_type3A_78, %dot_general3A_79 {dimension_numbers = #tpu.dot_dimension_numbers<[1], [1], [0], [0], [0, 0, 1, 0], [], []>, transpose_lhs_hint = false} : vector<1024x256xbf16>, vector<512x256xbf16>, vector<1024x512xf32> -> vector<1024x512xf32>
    %mul3A_81 = arith.constant 2.000000e+00 : f32
    %mul3A_82 = vector.broadcast %mul3A_81 : f32 to vector<1024x512xf32>
    %mul3A_83 = arith.mulf %mul3A_82, %dot_general3A_80 : vector<1024x512xf32>
    %sub3A_84 = vector.broadcast %broadcast_in_dim3A : vector<1024x1xf32> to vector<1024x512xf32>
    %sub3A_85 = arith.subf %sub3A_84, %mul3A_83 : vector<1024x512xf32>
    %add3A_86 = vector.broadcast %get3A_77 : vector<1x512xf32> to vector<1024x512xf32>
    %add3A_87 = arith.addf %sub3A_85, %add3A_86 : vector<1024x512xf32>
    %reduce_min3A_88 = arith.constant dense<0x7F800000> : vector<1024xf32>
    %reduce_min3A_89 = vector.multi_reduction <minimumf>, %add3A_87, %reduce_min3A_88 [1] : vector<1024x512xf32> to vector<1024xf32>
    %broadcast_in_dim3A_90 = vector.shape_cast %reduce_min3A_89 : vector<1024xf32> to vector<1024x1xf32>
    %eq3A_91 = vector.broadcast %broadcast_in_dim3A_90 : vector<1024x1xf32> to vector<1024x512xf32>
    %eq3A_92 = arith.cmpf oeq, %add3A_87, %eq3A_91 : vector<1024x512xf32>
    %jit3A_93 = arith.constant 8.192000e+03 : f32
    %broadcast_in_dim3A_94 = vector.broadcast %jit3A_93 : f32 to vector<1024x512xf32>
    %select_n3A_95 = arith.select %eq3A_92, %convert_element_type3A_9, %broadcast_in_dim3A_94 : vector<1024x512xi1>, vector<1024x512xf32>
    %reduce_min3A_96 = arith.constant dense<0x7F800000> : vector<1024xf32>
    %reduce_min3A_97 = vector.multi_reduction <minimumf>, %select_n3A_95, %reduce_min3A_96 [1] : vector<1024x512xf32> to vector<1024xf32>
    %broadcast_in_dim3A_98 = vector.shape_cast %reduce_min3A_97 : vector<1024xf32> to vector<1024x1xf32>
    %lt3A_99 = arith.cmpf olt, %broadcast_in_dim3A_90, %select_n3A_71 : vector<1024x1xf32>
    %convert_element_type3A_100 = arith.fptosi %broadcast_in_dim3A_98 : vector<1024x1xf32> to vector<1024x1xi32>
    %add3A_101 = arith.constant 1024 : i32
    %add3A_102 = vector.broadcast %add3A_101 : i32 to vector<1024x1xi32>
    %add3A_103 = arith.addi %convert_element_type3A_100, %add3A_102 : vector<1024x1xi32>
    %select_n3A_104 = arith.select %lt3A_99, %add3A_103, %select_n3A_70 : vector<1024x1xi1>, vector<1024x1xi32>
    %select_n3A_105 = arith.select %lt3A_99, %broadcast_in_dim3A_90, %select_n3A_71 : vector<1024x1xi1>, vector<1024x1xf32>
    %get3A_106 = arith.constant 1536 : index
    %get3A_107 = arith.constant 0 : index
    %get3A_108 = vector.load %arg2[%get3A_106, %get3A_107] : memref<8192x256xf32, #tpu.memory_space<vmem>>, vector<512x256xf32>
    %get3A_109 = arith.constant 0 : index
    %get3A_110 = arith.constant 1536 : index
    %get3A_111 = vector.load %arg4[%get3A_109, %get3A_110] : memref<1x8192xf32, #tpu.memory_space<vmem>>, vector<1x512xf32>
    %convert_element_type3A_112 = arith.truncf %get3A_108 : vector<512x256xf32> to vector<512x256xbf16>
    %dot_general3A_113 = arith.constant dense<0.000000e+00> : vector<1024x512xf32>
    %dot_general3A_114 = tpu.matmul %convert_element_type3A_10, %convert_element_type3A_112, %dot_general3A_113 {dimension_numbers = #tpu.dot_dimension_numbers<[1], [1], [0], [0], [0, 0, 1, 0], [], []>, transpose_lhs_hint = false} : vector<1024x256xbf16>, vector<512x256xbf16>, vector<1024x512xf32> -> vector<1024x512xf32>
    %mul3A_115 = arith.constant 2.000000e+00 : f32
    %mul3A_116 = vector.broadcast %mul3A_115 : f32 to vector<1024x512xf32>
    %mul3A_117 = arith.mulf %mul3A_116, %dot_general3A_114 : vector<1024x512xf32>
    %sub3A_118 = vector.broadcast %broadcast_in_dim3A : vector<1024x1xf32> to vector<1024x512xf32>
    %sub3A_119 = arith.subf %sub3A_118, %mul3A_117 : vector<1024x512xf32>
    %add3A_120 = vector.broadcast %get3A_111 : vector<1x512xf32> to vector<1024x512xf32>
    %add3A_121 = arith.addf %sub3A_119, %add3A_120 : vector<1024x512xf32>
    %reduce_min3A_122 = arith.constant dense<0x7F800000> : vector<1024xf32>
    %reduce_min3A_123 = vector.multi_reduction <minimumf>, %add3A_121, %reduce_min3A_122 [1] : vector<1024x512xf32> to vector<1024xf32>
    %broadcast_in_dim3A_124 = vector.shape_cast %reduce_min3A_123 : vector<1024xf32> to vector<1024x1xf32>
    %eq3A_125 = vector.broadcast %broadcast_in_dim3A_124 : vector<1024x1xf32> to vector<1024x512xf32>
    %eq3A_126 = arith.cmpf oeq, %add3A_121, %eq3A_125 : vector<1024x512xf32>
    %jit3A_127 = arith.constant 8.192000e+03 : f32
    %broadcast_in_dim3A_128 = vector.broadcast %jit3A_127 : f32 to vector<1024x512xf32>
    %select_n3A_129 = arith.select %eq3A_126, %convert_element_type3A_9, %broadcast_in_dim3A_128 : vector<1024x512xi1>, vector<1024x512xf32>
    %reduce_min3A_130 = arith.constant dense<0x7F800000> : vector<1024xf32>
    %reduce_min3A_131 = vector.multi_reduction <minimumf>, %select_n3A_129, %reduce_min3A_130 [1] : vector<1024x512xf32> to vector<1024xf32>
    %broadcast_in_dim3A_132 = vector.shape_cast %reduce_min3A_131 : vector<1024xf32> to vector<1024x1xf32>
    %lt3A_133 = arith.cmpf olt, %broadcast_in_dim3A_124, %select_n3A_105 : vector<1024x1xf32>
    %convert_element_type3A_134 = arith.fptosi %broadcast_in_dim3A_132 : vector<1024x1xf32> to vector<1024x1xi32>
    %add3A_135 = arith.constant 1536 : i32
    %add3A_136 = vector.broadcast %add3A_135 : i32 to vector<1024x1xi32>
    %add3A_137 = arith.addi %convert_element_type3A_134, %add3A_136 : vector<1024x1xi32>
    %select_n3A_138 = arith.select %lt3A_133, %add3A_137, %select_n3A_104 : vector<1024x1xi1>, vector<1024x1xi32>
    %select_n3A_139 = arith.select %lt3A_133, %broadcast_in_dim3A_124, %select_n3A_105 : vector<1024x1xi1>, vector<1024x1xf32>
    %convert_element_type3A_140 = arith.truncf %select_n3A_139 : vector<1024x1xf32> to vector<1024x1xbf16>
    %convert_element_type3A_141 = arith.extf %convert_element_type3A_140 : vector<1024x1xbf16> to vector<1024x1xf32>
    %get3A_142 = arith.constant 2048 : index
    %get3A_143 = arith.constant 0 : index
    %get3A_144 = vector.load %arg2[%get3A_142, %get3A_143] : memref<8192x256xf32, #tpu.memory_space<vmem>>, vector<512x256xf32>
    %get3A_145 = arith.constant 0 : index
    %get3A_146 = arith.constant 2048 : index
    %get3A_147 = vector.load %arg4[%get3A_145, %get3A_146] : memref<1x8192xf32, #tpu.memory_space<vmem>>, vector<1x512xf32>
    %convert_element_type3A_148 = arith.truncf %get3A_144 : vector<512x256xf32> to vector<512x256xbf16>
    %dot_general3A_149 = arith.constant dense<0.000000e+00> : vector<1024x512xf32>
    %dot_general3A_150 = tpu.matmul %convert_element_type3A_10, %convert_element_type3A_148, %dot_general3A_149 {dimension_numbers = #tpu.dot_dimension_numbers<[1], [1], [0], [0], [0, 0, 1, 0], [], []>, transpose_lhs_hint = false} : vector<1024x256xbf16>, vector<512x256xbf16>, vector<1024x512xf32> -> vector<1024x512xf32>
    %mul3A_151 = arith.constant 2.000000e+00 : f32
    %mul3A_152 = vector.broadcast %mul3A_151 : f32 to vector<1024x512xf32>
    %mul3A_153 = arith.mulf %mul3A_152, %dot_general3A_150 : vector<1024x512xf32>
    %sub3A_154 = vector.broadcast %broadcast_in_dim3A : vector<1024x1xf32> to vector<1024x512xf32>
    %sub3A_155 = arith.subf %sub3A_154, %mul3A_153 : vector<1024x512xf32>
    %add3A_156 = vector.broadcast %get3A_147 : vector<1x512xf32> to vector<1024x512xf32>
    %add3A_157 = arith.addf %sub3A_155, %add3A_156 : vector<1024x512xf32>
    %reduce_min3A_158 = arith.constant dense<0x7F800000> : vector<1024xf32>
    %reduce_min3A_159 = vector.multi_reduction <minimumf>, %add3A_157, %reduce_min3A_158 [1] : vector<1024x512xf32> to vector<1024xf32>
    %broadcast_in_dim3A_160 = vector.shape_cast %reduce_min3A_159 : vector<1024xf32> to vector<1024x1xf32>
    %eq3A_161 = vector.broadcast %broadcast_in_dim3A_160 : vector<1024x1xf32> to vector<1024x512xf32>
    %eq3A_162 = arith.cmpf oeq, %add3A_157, %eq3A_161 : vector<1024x512xf32>
    %jit3A_163 = arith.constant 8.192000e+03 : f32
    %broadcast_in_dim3A_164 = vector.broadcast %jit3A_163 : f32 to vector<1024x512xf32>
    %select_n3A_165 = arith.select %eq3A_162, %convert_element_type3A_9, %broadcast_in_dim3A_164 : vector<1024x512xi1>, vector<1024x512xf32>
    %reduce_min3A_166 = arith.constant dense<0x7F800000> : vector<1024xf32>
    %reduce_min3A_167 = vector.multi_reduction <minimumf>, %select_n3A_165, %reduce_min3A_166 [1] : vector<1024x512xf32> to vector<1024xf32>
    %broadcast_in_dim3A_168 = vector.shape_cast %reduce_min3A_167 : vector<1024xf32> to vector<1024x1xf32>
    %lt3A_169 = arith.cmpf olt, %broadcast_in_dim3A_160, %convert_element_type3A_141 : vector<1024x1xf32>
    %convert_element_type3A_170 = arith.fptosi %broadcast_in_dim3A_168 : vector<1024x1xf32> to vector<1024x1xi32>
    %add3A_171 = arith.constant 2048 : i32
    %add3A_172 = vector.broadcast %add3A_171 : i32 to vector<1024x1xi32>
    %add3A_173 = arith.addi %convert_element_type3A_170, %add3A_172 : vector<1024x1xi32>
    %select_n3A_174 = arith.select %lt3A_169, %add3A_173, %select_n3A_138 : vector<1024x1xi1>, vector<1024x1xi32>
    %select_n3A_175 = arith.select %lt3A_169, %broadcast_in_dim3A_160, %convert_element_type3A_141 : vector<1024x1xi1>, vector<1024x1xf32>
    %get3A_176 = arith.constant 2560 : index
    %get3A_177 = arith.constant 0 : index
    %get3A_178 = vector.load %arg2[%get3A_176, %get3A_177] : memref<8192x256xf32, #tpu.memory_space<vmem>>, vector<512x256xf32>
    %get3A_179 = arith.constant 0 : index
    %get3A_180 = arith.constant 2560 : index
    %get3A_181 = vector.load %arg4[%get3A_179, %get3A_180] : memref<1x8192xf32, #tpu.memory_space<vmem>>, vector<1x512xf32>
    %convert_element_type3A_182 = arith.truncf %get3A_178 : vector<512x256xf32> to vector<512x256xbf16>
    %dot_general3A_183 = arith.constant dense<0.000000e+00> : vector<1024x512xf32>
    %dot_general3A_184 = tpu.matmul %convert_element_type3A_10, %convert_element_type3A_182, %dot_general3A_183 {dimension_numbers = #tpu.dot_dimension_numbers<[1], [1], [0], [0], [0, 0, 1, 0], [], []>, transpose_lhs_hint = false} : vector<1024x256xbf16>, vector<512x256xbf16>, vector<1024x512xf32> -> vector<1024x512xf32>
    %mul3A_185 = arith.constant 2.000000e+00 : f32
    %mul3A_186 = vector.broadcast %mul3A_185 : f32 to vector<1024x512xf32>
    %mul3A_187 = arith.mulf %mul3A_186, %dot_general3A_184 : vector<1024x512xf32>
    %sub3A_188 = vector.broadcast %broadcast_in_dim3A : vector<1024x1xf32> to vector<1024x512xf32>
    %sub3A_189 = arith.subf %sub3A_188, %mul3A_187 : vector<1024x512xf32>
    %add3A_190 = vector.broadcast %get3A_181 : vector<1x512xf32> to vector<1024x512xf32>
    %add3A_191 = arith.addf %sub3A_189, %add3A_190 : vector<1024x512xf32>
    %reduce_min3A_192 = arith.constant dense<0x7F800000> : vector<1024xf32>
    %reduce_min3A_193 = vector.multi_reduction <minimumf>, %add3A_191, %reduce_min3A_192 [1] : vector<1024x512xf32> to vector<1024xf32>
    %broadcast_in_dim3A_194 = vector.shape_cast %reduce_min3A_193 : vector<1024xf32> to vector<1024x1xf32>
    %eq3A_195 = vector.broadcast %broadcast_in_dim3A_194 : vector<1024x1xf32> to vector<1024x512xf32>
    %eq3A_196 = arith.cmpf oeq, %add3A_191, %eq3A_195 : vector<1024x512xf32>
    %jit3A_197 = arith.constant 8.192000e+03 : f32
    %broadcast_in_dim3A_198 = vector.broadcast %jit3A_197 : f32 to vector<1024x512xf32>
    %select_n3A_199 = arith.select %eq3A_196, %convert_element_type3A_9, %broadcast_in_dim3A_198 : vector<1024x512xi1>, vector<1024x512xf32>
    %reduce_min3A_200 = arith.constant dense<0x7F800000> : vector<1024xf32>
    %reduce_min3A_201 = vector.multi_reduction <minimumf>, %select_n3A_199, %reduce_min3A_200 [1] : vector<1024x512xf32> to vector<1024xf32>
    %broadcast_in_dim3A_202 = vector.shape_cast %reduce_min3A_201 : vector<1024xf32> to vector<1024x1xf32>
    %lt3A_203 = arith.cmpf olt, %broadcast_in_dim3A_194, %select_n3A_175 : vector<1024x1xf32>
    %convert_element_type3A_204 = arith.fptosi %broadcast_in_dim3A_202 : vector<1024x1xf32> to vector<1024x1xi32>
    %add3A_205 = arith.constant 2560 : i32
    %add3A_206 = vector.broadcast %add3A_205 : i32 to vector<1024x1xi32>
    %add3A_207 = arith.addi %convert_element_type3A_204, %add3A_206 : vector<1024x1xi32>
    %select_n3A_208 = arith.select %lt3A_203, %add3A_207, %select_n3A_174 : vector<1024x1xi1>, vector<1024x1xi32>
    %select_n3A_209 = arith.select %lt3A_203, %broadcast_in_dim3A_194, %select_n3A_175 : vector<1024x1xi1>, vector<1024x1xf32>
    %get3A_210 = arith.constant 3072 : index
    %get3A_211 = arith.constant 0 : index
    %get3A_212 = vector.load %arg2[%get3A_210, %get3A_211] : memref<8192x256xf32, #tpu.memory_space<vmem>>, vector<512x256xf32>
    %get3A_213 = arith.constant 0 : index
    %get3A_214 = arith.constant 3072 : index
    %get3A_215 = vector.load %arg4[%get3A_213, %get3A_214] : memref<1x8192xf32, #tpu.memory_space<vmem>>, vector<1x512xf32>
    %convert_element_type3A_216 = arith.truncf %get3A_212 : vector<512x256xf32> to vector<512x256xbf16>
    %dot_general3A_217 = arith.constant dense<0.000000e+00> : vector<1024x512xf32>
    %dot_general3A_218 = tpu.matmul %convert_element_type3A_10, %convert_element_type3A_216, %dot_general3A_217 {dimension_numbers = #tpu.dot_dimension_numbers<[1], [1], [0], [0], [0, 0, 1, 0], [], []>, transpose_lhs_hint = false} : vector<1024x256xbf16>, vector<512x256xbf16>, vector<1024x512xf32> -> vector<1024x512xf32>
    %mul3A_219 = arith.constant 2.000000e+00 : f32
    %mul3A_220 = vector.broadcast %mul3A_219 : f32 to vector<1024x512xf32>
    %mul3A_221 = arith.mulf %mul3A_220, %dot_general3A_218 : vector<1024x512xf32>
    %sub3A_222 = vector.broadcast %broadcast_in_dim3A : vector<1024x1xf32> to vector<1024x512xf32>
    %sub3A_223 = arith.subf %sub3A_222, %mul3A_221 : vector<1024x512xf32>
    %add3A_224 = vector.broadcast %get3A_215 : vector<1x512xf32> to vector<1024x512xf32>
    %add3A_225 = arith.addf %sub3A_223, %add3A_224 : vector<1024x512xf32>
    %reduce_min3A_226 = arith.constant dense<0x7F800000> : vector<1024xf32>
    %reduce_min3A_227 = vector.multi_reduction <minimumf>, %add3A_225, %reduce_min3A_226 [1] : vector<1024x512xf32> to vector<1024xf32>
    %broadcast_in_dim3A_228 = vector.shape_cast %reduce_min3A_227 : vector<1024xf32> to vector<1024x1xf32>
    %eq3A_229 = vector.broadcast %broadcast_in_dim3A_228 : vector<1024x1xf32> to vector<1024x512xf32>
    %eq3A_230 = arith.cmpf oeq, %add3A_225, %eq3A_229 : vector<1024x512xf32>
    %jit3A_231 = arith.constant 8.192000e+03 : f32
    %broadcast_in_dim3A_232 = vector.broadcast %jit3A_231 : f32 to vector<1024x512xf32>
    %select_n3A_233 = arith.select %eq3A_230, %convert_element_type3A_9, %broadcast_in_dim3A_232 : vector<1024x512xi1>, vector<1024x512xf32>
    %reduce_min3A_234 = arith.constant dense<0x7F800000> : vector<1024xf32>
    %reduce_min3A_235 = vector.multi_reduction <minimumf>, %select_n3A_233, %reduce_min3A_234 [1] : vector<1024x512xf32> to vector<1024xf32>
    %broadcast_in_dim3A_236 = vector.shape_cast %reduce_min3A_235 : vector<1024xf32> to vector<1024x1xf32>
    %lt3A_237 = arith.cmpf olt, %broadcast_in_dim3A_228, %select_n3A_209 : vector<1024x1xf32>
    %convert_element_type3A_238 = arith.fptosi %broadcast_in_dim3A_236 : vector<1024x1xf32> to vector<1024x1xi32>
    %add3A_239 = arith.constant 3072 : i32
    %add3A_240 = vector.broadcast %add3A_239 : i32 to vector<1024x1xi32>
    %add3A_241 = arith.addi %convert_element_type3A_238, %add3A_240 : vector<1024x1xi32>
    %select_n3A_242 = arith.select %lt3A_237, %add3A_241, %select_n3A_208 : vector<1024x1xi1>, vector<1024x1xi32>
    %select_n3A_243 = arith.select %lt3A_237, %broadcast_in_dim3A_228, %select_n3A_209 : vector<1024x1xi1>, vector<1024x1xf32>
    %get3A_244 = arith.constant 3584 : index
    %get3A_245 = arith.constant 0 : index
    %get3A_246 = vector.load %arg2[%get3A_244, %get3A_245] : memref<8192x256xf32, #tpu.memory_space<vmem>>, vector<512x256xf32>
    %get3A_247 = arith.constant 0 : index
    %get3A_248 = arith.constant 3584 : index
    %get3A_249 = vector.load %arg4[%get3A_247, %get3A_248] : memref<1x8192xf32, #tpu.memory_space<vmem>>, vector<1x512xf32>
    %convert_element_type3A_250 = arith.truncf %get3A_246 : vector<512x256xf32> to vector<512x256xbf16>
    %dot_general3A_251 = arith.constant dense<0.000000e+00> : vector<1024x512xf32>
    %dot_general3A_252 = tpu.matmul %convert_element_type3A_10, %convert_element_type3A_250, %dot_general3A_251 {dimension_numbers = #tpu.dot_dimension_numbers<[1], [1], [0], [0], [0, 0, 1, 0], [], []>, transpose_lhs_hint = false} : vector<1024x256xbf16>, vector<512x256xbf16>, vector<1024x512xf32> -> vector<1024x512xf32>
    %mul3A_253 = arith.constant 2.000000e+00 : f32
    %mul3A_254 = vector.broadcast %mul3A_253 : f32 to vector<1024x512xf32>
    %mul3A_255 = arith.mulf %mul3A_254, %dot_general3A_252 : vector<1024x512xf32>
    %sub3A_256 = vector.broadcast %broadcast_in_dim3A : vector<1024x1xf32> to vector<1024x512xf32>
    %sub3A_257 = arith.subf %sub3A_256, %mul3A_255 : vector<1024x512xf32>
    %add3A_258 = vector.broadcast %get3A_249 : vector<1x512xf32> to vector<1024x512xf32>
    %add3A_259 = arith.addf %sub3A_257, %add3A_258 : vector<1024x512xf32>
    %reduce_min3A_260 = arith.constant dense<0x7F800000> : vector<1024xf32>
    %reduce_min3A_261 = vector.multi_reduction <minimumf>, %add3A_259, %reduce_min3A_260 [1] : vector<1024x512xf32> to vector<1024xf32>
    %broadcast_in_dim3A_262 = vector.shape_cast %reduce_min3A_261 : vector<1024xf32> to vector<1024x1xf32>
    %eq3A_263 = vector.broadcast %broadcast_in_dim3A_262 : vector<1024x1xf32> to vector<1024x512xf32>
    %eq3A_264 = arith.cmpf oeq, %add3A_259, %eq3A_263 : vector<1024x512xf32>
    %jit3A_265 = arith.constant 8.192000e+03 : f32
    %broadcast_in_dim3A_266 = vector.broadcast %jit3A_265 : f32 to vector<1024x512xf32>
    %select_n3A_267 = arith.select %eq3A_264, %convert_element_type3A_9, %broadcast_in_dim3A_266 : vector<1024x512xi1>, vector<1024x512xf32>
    %reduce_min3A_268 = arith.constant dense<0x7F800000> : vector<1024xf32>
    %reduce_min3A_269 = vector.multi_reduction <minimumf>, %select_n3A_267, %reduce_min3A_268 [1] : vector<1024x512xf32> to vector<1024xf32>
    %broadcast_in_dim3A_270 = vector.shape_cast %reduce_min3A_269 : vector<1024xf32> to vector<1024x1xf32>
    %lt3A_271 = arith.cmpf olt, %broadcast_in_dim3A_262, %select_n3A_243 : vector<1024x1xf32>
    %convert_element_type3A_272 = arith.fptosi %broadcast_in_dim3A_270 : vector<1024x1xf32> to vector<1024x1xi32>
    %add3A_273 = arith.constant 3584 : i32
    %add3A_274 = vector.broadcast %add3A_273 : i32 to vector<1024x1xi32>
    %add3A_275 = arith.addi %convert_element_type3A_272, %add3A_274 : vector<1024x1xi32>
    %select_n3A_276 = arith.select %lt3A_271, %add3A_275, %select_n3A_242 : vector<1024x1xi1>, vector<1024x1xi32>
    %select_n3A_277 = arith.select %lt3A_271, %broadcast_in_dim3A_262, %select_n3A_243 : vector<1024x1xi1>, vector<1024x1xf32>
    %convert_element_type3A_278 = arith.truncf %select_n3A_277 : vector<1024x1xf32> to vector<1024x1xbf16>
    %convert_element_type3A_279 = arith.extf %convert_element_type3A_278 : vector<1024x1xbf16> to vector<1024x1xf32>
    %get3A_280 = arith.constant 4096 : index
    %get3A_281 = arith.constant 0 : index
    %get3A_282 = vector.load %arg2[%get3A_280, %get3A_281] : memref<8192x256xf32, #tpu.memory_space<vmem>>, vector<512x256xf32>
    %get3A_283 = arith.constant 0 : index
    %get3A_284 = arith.constant 4096 : index
    %get3A_285 = vector.load %arg4[%get3A_283, %get3A_284] : memref<1x8192xf32, #tpu.memory_space<vmem>>, vector<1x512xf32>
    %convert_element_type3A_286 = arith.truncf %get3A_282 : vector<512x256xf32> to vector<512x256xbf16>
    %dot_general3A_287 = arith.constant dense<0.000000e+00> : vector<1024x512xf32>
    %dot_general3A_288 = tpu.matmul %convert_element_type3A_10, %convert_element_type3A_286, %dot_general3A_287 {dimension_numbers = #tpu.dot_dimension_numbers<[1], [1], [0], [0], [0, 0, 1, 0], [], []>, transpose_lhs_hint = false} : vector<1024x256xbf16>, vector<512x256xbf16>, vector<1024x512xf32> -> vector<1024x512xf32>
    %mul3A_289 = arith.constant 2.000000e+00 : f32
    %mul3A_290 = vector.broadcast %mul3A_289 : f32 to vector<1024x512xf32>
    %mul3A_291 = arith.mulf %mul3A_290, %dot_general3A_288 : vector<1024x512xf32>
    %sub3A_292 = vector.broadcast %broadcast_in_dim3A : vector<1024x1xf32> to vector<1024x512xf32>
    %sub3A_293 = arith.subf %sub3A_292, %mul3A_291 : vector<1024x512xf32>
    %add3A_294 = vector.broadcast %get3A_285 : vector<1x512xf32> to vector<1024x512xf32>
    %add3A_295 = arith.addf %sub3A_293, %add3A_294 : vector<1024x512xf32>
    %reduce_min3A_296 = arith.constant dense<0x7F800000> : vector<1024xf32>
    %reduce_min3A_297 = vector.multi_reduction <minimumf>, %add3A_295, %reduce_min3A_296 [1] : vector<1024x512xf32> to vector<1024xf32>
    %broadcast_in_dim3A_298 = vector.shape_cast %reduce_min3A_297 : vector<1024xf32> to vector<1024x1xf32>
    %eq3A_299 = vector.broadcast %broadcast_in_dim3A_298 : vector<1024x1xf32> to vector<1024x512xf32>
    %eq3A_300 = arith.cmpf oeq, %add3A_295, %eq3A_299 : vector<1024x512xf32>
    %jit3A_301 = arith.constant 8.192000e+03 : f32
    %broadcast_in_dim3A_302 = vector.broadcast %jit3A_301 : f32 to vector<1024x512xf32>
    %select_n3A_303 = arith.select %eq3A_300, %convert_element_type3A_9, %broadcast_in_dim3A_302 : vector<1024x512xi1>, vector<1024x512xf32>
    %reduce_min3A_304 = arith.constant dense<0x7F800000> : vector<1024xf32>
    %reduce_min3A_305 = vector.multi_reduction <minimumf>, %select_n3A_303, %reduce_min3A_304 [1] : vector<1024x512xf32> to vector<1024xf32>
    %broadcast_in_dim3A_306 = vector.shape_cast %reduce_min3A_305 : vector<1024xf32> to vector<1024x1xf32>
    %lt3A_307 = arith.cmpf olt, %broadcast_in_dim3A_298, %convert_element_type3A_279 : vector<1024x1xf32>
    %convert_element_type3A_308 = arith.fptosi %broadcast_in_dim3A_306 : vector<1024x1xf32> to vector<1024x1xi32>
    %add3A_309 = arith.constant 4096 : i32
    %add3A_310 = vector.broadcast %add3A_309 : i32 to vector<1024x1xi32>
    %add3A_311 = arith.addi %convert_element_type3A_308, %add3A_310 : vector<1024x1xi32>
    %select_n3A_312 = arith.select %lt3A_307, %add3A_311, %select_n3A_276 : vector<1024x1xi1>, vector<1024x1xi32>
    %select_n3A_313 = arith.select %lt3A_307, %broadcast_in_dim3A_298, %convert_element_type3A_279 : vector<1024x1xi1>, vector<1024x1xf32>
    %get3A_314 = arith.constant 4608 : index
    %get3A_315 = arith.constant 0 : index
    %get3A_316 = vector.load %arg2[%get3A_314, %get3A_315] : memref<8192x256xf32, #tpu.memory_space<vmem>>, vector<512x256xf32>
    %get3A_317 = arith.constant 0 : index
    %get3A_318 = arith.constant 4608 : index
    %get3A_319 = vector.load %arg4[%get3A_317, %get3A_318] : memref<1x8192xf32, #tpu.memory_space<vmem>>, vector<1x512xf32>
    %convert_element_type3A_320 = arith.truncf %get3A_316 : vector<512x256xf32> to vector<512x256xbf16>
    %dot_general3A_321 = arith.constant dense<0.000000e+00> : vector<1024x512xf32>
    %dot_general3A_322 = tpu.matmul %convert_element_type3A_10, %convert_element_type3A_320, %dot_general3A_321 {dimension_numbers = #tpu.dot_dimension_numbers<[1], [1], [0], [0], [0, 0, 1, 0], [], []>, transpose_lhs_hint = false} : vector<1024x256xbf16>, vector<512x256xbf16>, vector<1024x512xf32> -> vector<1024x512xf32>
    %mul3A_323 = arith.constant 2.000000e+00 : f32
    %mul3A_324 = vector.broadcast %mul3A_323 : f32 to vector<1024x512xf32>
    %mul3A_325 = arith.mulf %mul3A_324, %dot_general3A_322 : vector<1024x512xf32>
    %sub3A_326 = vector.broadcast %broadcast_in_dim3A : vector<1024x1xf32> to vector<1024x512xf32>
    %sub3A_327 = arith.subf %sub3A_326, %mul3A_325 : vector<1024x512xf32>
    %add3A_328 = vector.broadcast %get3A_319 : vector<1x512xf32> to vector<1024x512xf32>
    %add3A_329 = arith.addf %sub3A_327, %add3A_328 : vector<1024x512xf32>
    %reduce_min3A_330 = arith.constant dense<0x7F800000> : vector<1024xf32>
    %reduce_min3A_331 = vector.multi_reduction <minimumf>, %add3A_329, %reduce_min3A_330 [1] : vector<1024x512xf32> to vector<1024xf32>
    %broadcast_in_dim3A_332 = vector.shape_cast %reduce_min3A_331 : vector<1024xf32> to vector<1024x1xf32>
    %eq3A_333 = vector.broadcast %broadcast_in_dim3A_332 : vector<1024x1xf32> to vector<1024x512xf32>
    %eq3A_334 = arith.cmpf oeq, %add3A_329, %eq3A_333 : vector<1024x512xf32>
    %jit3A_335 = arith.constant 8.192000e+03 : f32
    %broadcast_in_dim3A_336 = vector.broadcast %jit3A_335 : f32 to vector<1024x512xf32>
    %select_n3A_337 = arith.select %eq3A_334, %convert_element_type3A_9, %broadcast_in_dim3A_336 : vector<1024x512xi1>, vector<1024x512xf32>
    %reduce_min3A_338 = arith.constant dense<0x7F800000> : vector<1024xf32>
    %reduce_min3A_339 = vector.multi_reduction <minimumf>, %select_n3A_337, %reduce_min3A_338 [1] : vector<1024x512xf32> to vector<1024xf32>
    %broadcast_in_dim3A_340 = vector.shape_cast %reduce_min3A_339 : vector<1024xf32> to vector<1024x1xf32>
    %lt3A_341 = arith.cmpf olt, %broadcast_in_dim3A_332, %select_n3A_313 : vector<1024x1xf32>
    %convert_element_type3A_342 = arith.fptosi %broadcast_in_dim3A_340 : vector<1024x1xf32> to vector<1024x1xi32>
    %add3A_343 = arith.constant 4608 : i32
    %add3A_344 = vector.broadcast %add3A_343 : i32 to vector<1024x1xi32>
    %add3A_345 = arith.addi %convert_element_type3A_342, %add3A_344 : vector<1024x1xi32>
    %select_n3A_346 = arith.select %lt3A_341, %add3A_345, %select_n3A_312 : vector<1024x1xi1>, vector<1024x1xi32>
    %select_n3A_347 = arith.select %lt3A_341, %broadcast_in_dim3A_332, %select_n3A_313 : vector<1024x1xi1>, vector<1024x1xf32>
    %get3A_348 = arith.constant 5120 : index
    %get3A_349 = arith.constant 0 : index
    %get3A_350 = vector.load %arg2[%get3A_348, %get3A_349] : memref<8192x256xf32, #tpu.memory_space<vmem>>, vector<512x256xf32>
    %get3A_351 = arith.constant 0 : index
    %get3A_352 = arith.constant 5120 : index
    %get3A_353 = vector.load %arg4[%get3A_351, %get3A_352] : memref<1x8192xf32, #tpu.memory_space<vmem>>, vector<1x512xf32>
    %convert_element_type3A_354 = arith.truncf %get3A_350 : vector<512x256xf32> to vector<512x256xbf16>
    %dot_general3A_355 = arith.constant dense<0.000000e+00> : vector<1024x512xf32>
    %dot_general3A_356 = tpu.matmul %convert_element_type3A_10, %convert_element_type3A_354, %dot_general3A_355 {dimension_numbers = #tpu.dot_dimension_numbers<[1], [1], [0], [0], [0, 0, 1, 0], [], []>, transpose_lhs_hint = false} : vector<1024x256xbf16>, vector<512x256xbf16>, vector<1024x512xf32> -> vector<1024x512xf32>
    %mul3A_357 = arith.constant 2.000000e+00 : f32
    %mul3A_358 = vector.broadcast %mul3A_357 : f32 to vector<1024x512xf32>
    %mul3A_359 = arith.mulf %mul3A_358, %dot_general3A_356 : vector<1024x512xf32>
    %sub3A_360 = vector.broadcast %broadcast_in_dim3A : vector<1024x1xf32> to vector<1024x512xf32>
    %sub3A_361 = arith.subf %sub3A_360, %mul3A_359 : vector<1024x512xf32>
    %add3A_362 = vector.broadcast %get3A_353 : vector<1x512xf32> to vector<1024x512xf32>
    %add3A_363 = arith.addf %sub3A_361, %add3A_362 : vector<1024x512xf32>
    %reduce_min3A_364 = arith.constant dense<0x7F800000> : vector<1024xf32>
    %reduce_min3A_365 = vector.multi_reduction <minimumf>, %add3A_363, %reduce_min3A_364 [1] : vector<1024x512xf32> to vector<1024xf32>
    %broadcast_in_dim3A_366 = vector.shape_cast %reduce_min3A_365 : vector<1024xf32> to vector<1024x1xf32>
    %eq3A_367 = vector.broadcast %broadcast_in_dim3A_366 : vector<1024x1xf32> to vector<1024x512xf32>
    %eq3A_368 = arith.cmpf oeq, %add3A_363, %eq3A_367 : vector<1024x512xf32>
    %jit3A_369 = arith.constant 8.192000e+03 : f32
    %broadcast_in_dim3A_370 = vector.broadcast %jit3A_369 : f32 to vector<1024x512xf32>
    %select_n3A_371 = arith.select %eq3A_368, %convert_element_type3A_9, %broadcast_in_dim3A_370 : vector<1024x512xi1>, vector<1024x512xf32>
    %reduce_min3A_372 = arith.constant dense<0x7F800000> : vector<1024xf32>
    %reduce_min3A_373 = vector.multi_reduction <minimumf>, %select_n3A_371, %reduce_min3A_372 [1] : vector<1024x512xf32> to vector<1024xf32>
    %broadcast_in_dim3A_374 = vector.shape_cast %reduce_min3A_373 : vector<1024xf32> to vector<1024x1xf32>
    %lt3A_375 = arith.cmpf olt, %broadcast_in_dim3A_366, %select_n3A_347 : vector<1024x1xf32>
    %convert_element_type3A_376 = arith.fptosi %broadcast_in_dim3A_374 : vector<1024x1xf32> to vector<1024x1xi32>
    %add3A_377 = arith.constant 5120 : i32
    %add3A_378 = vector.broadcast %add3A_377 : i32 to vector<1024x1xi32>
    %add3A_379 = arith.addi %convert_element_type3A_376, %add3A_378 : vector<1024x1xi32>
    %select_n3A_380 = arith.select %lt3A_375, %add3A_379, %select_n3A_346 : vector<1024x1xi1>, vector<1024x1xi32>
    %select_n3A_381 = arith.select %lt3A_375, %broadcast_in_dim3A_366, %select_n3A_347 : vector<1024x1xi1>, vector<1024x1xf32>
    %get3A_382 = arith.constant 5632 : index
    %get3A_383 = arith.constant 0 : index
    %get3A_384 = vector.load %arg2[%get3A_382, %get3A_383] : memref<8192x256xf32, #tpu.memory_space<vmem>>, vector<512x256xf32>
    %get3A_385 = arith.constant 0 : index
    %get3A_386 = arith.constant 5632 : index
    %get3A_387 = vector.load %arg4[%get3A_385, %get3A_386] : memref<1x8192xf32, #tpu.memory_space<vmem>>, vector<1x512xf32>
    %convert_element_type3A_388 = arith.truncf %get3A_384 : vector<512x256xf32> to vector<512x256xbf16>
    %dot_general3A_389 = arith.constant dense<0.000000e+00> : vector<1024x512xf32>
    %dot_general3A_390 = tpu.matmul %convert_element_type3A_10, %convert_element_type3A_388, %dot_general3A_389 {dimension_numbers = #tpu.dot_dimension_numbers<[1], [1], [0], [0], [0, 0, 1, 0], [], []>, transpose_lhs_hint = false} : vector<1024x256xbf16>, vector<512x256xbf16>, vector<1024x512xf32> -> vector<1024x512xf32>
    %mul3A_391 = arith.constant 2.000000e+00 : f32
    %mul3A_392 = vector.broadcast %mul3A_391 : f32 to vector<1024x512xf32>
    %mul3A_393 = arith.mulf %mul3A_392, %dot_general3A_390 : vector<1024x512xf32>
    %sub3A_394 = vector.broadcast %broadcast_in_dim3A : vector<1024x1xf32> to vector<1024x512xf32>
    %sub3A_395 = arith.subf %sub3A_394, %mul3A_393 : vector<1024x512xf32>
    %add3A_396 = vector.broadcast %get3A_387 : vector<1x512xf32> to vector<1024x512xf32>
    %add3A_397 = arith.addf %sub3A_395, %add3A_396 : vector<1024x512xf32>
    %reduce_min3A_398 = arith.constant dense<0x7F800000> : vector<1024xf32>
    %reduce_min3A_399 = vector.multi_reduction <minimumf>, %add3A_397, %reduce_min3A_398 [1] : vector<1024x512xf32> to vector<1024xf32>
    %broadcast_in_dim3A_400 = vector.shape_cast %reduce_min3A_399 : vector<1024xf32> to vector<1024x1xf32>
    %eq3A_401 = vector.broadcast %broadcast_in_dim3A_400 : vector<1024x1xf32> to vector<1024x512xf32>
    %eq3A_402 = arith.cmpf oeq, %add3A_397, %eq3A_401 : vector<1024x512xf32>
    %jit3A_403 = arith.constant 8.192000e+03 : f32
    %broadcast_in_dim3A_404 = vector.broadcast %jit3A_403 : f32 to vector<1024x512xf32>
    %select_n3A_405 = arith.select %eq3A_402, %convert_element_type3A_9, %broadcast_in_dim3A_404 : vector<1024x512xi1>, vector<1024x512xf32>
    %reduce_min3A_406 = arith.constant dense<0x7F800000> : vector<1024xf32>
    %reduce_min3A_407 = vector.multi_reduction <minimumf>, %select_n3A_405, %reduce_min3A_406 [1] : vector<1024x512xf32> to vector<1024xf32>
    %broadcast_in_dim3A_408 = vector.shape_cast %reduce_min3A_407 : vector<1024xf32> to vector<1024x1xf32>
    %lt3A_409 = arith.cmpf olt, %broadcast_in_dim3A_400, %select_n3A_381 : vector<1024x1xf32>
    %convert_element_type3A_410 = arith.fptosi %broadcast_in_dim3A_408 : vector<1024x1xf32> to vector<1024x1xi32>
    %add3A_411 = arith.constant 5632 : i32
    %add3A_412 = vector.broadcast %add3A_411 : i32 to vector<1024x1xi32>
    %add3A_413 = arith.addi %convert_element_type3A_410, %add3A_412 : vector<1024x1xi32>
    %select_n3A_414 = arith.select %lt3A_409, %add3A_413, %select_n3A_380 : vector<1024x1xi1>, vector<1024x1xi32>
    %select_n3A_415 = arith.select %lt3A_409, %broadcast_in_dim3A_400, %select_n3A_381 : vector<1024x1xi1>, vector<1024x1xf32>
    %convert_element_type3A_416 = arith.truncf %select_n3A_415 : vector<1024x1xf32> to vector<1024x1xbf16>
    %convert_element_type3A_417 = arith.extf %convert_element_type3A_416 : vector<1024x1xbf16> to vector<1024x1xf32>
    %get3A_418 = arith.constant 6144 : index
    %get3A_419 = arith.constant 0 : index
    %get3A_420 = vector.load %arg2[%get3A_418, %get3A_419] : memref<8192x256xf32, #tpu.memory_space<vmem>>, vector<512x256xf32>
    %get3A_421 = arith.constant 0 : index
    %get3A_422 = arith.constant 6144 : index
    %get3A_423 = vector.load %arg4[%get3A_421, %get3A_422] : memref<1x8192xf32, #tpu.memory_space<vmem>>, vector<1x512xf32>
    %convert_element_type3A_424 = arith.truncf %get3A_420 : vector<512x256xf32> to vector<512x256xbf16>
    %dot_general3A_425 = arith.constant dense<0.000000e+00> : vector<1024x512xf32>
    %dot_general3A_426 = tpu.matmul %convert_element_type3A_10, %convert_element_type3A_424, %dot_general3A_425 {dimension_numbers = #tpu.dot_dimension_numbers<[1], [1], [0], [0], [0, 0, 1, 0], [], []>, transpose_lhs_hint = false} : vector<1024x256xbf16>, vector<512x256xbf16>, vector<1024x512xf32> -> vector<1024x512xf32>
    %mul3A_427 = arith.constant 2.000000e+00 : f32
    %mul3A_428 = vector.broadcast %mul3A_427 : f32 to vector<1024x512xf32>
    %mul3A_429 = arith.mulf %mul3A_428, %dot_general3A_426 : vector<1024x512xf32>
    %sub3A_430 = vector.broadcast %broadcast_in_dim3A : vector<1024x1xf32> to vector<1024x512xf32>
    %sub3A_431 = arith.subf %sub3A_430, %mul3A_429 : vector<1024x512xf32>
    %add3A_432 = vector.broadcast %get3A_423 : vector<1x512xf32> to vector<1024x512xf32>
    %add3A_433 = arith.addf %sub3A_431, %add3A_432 : vector<1024x512xf32>
    %reduce_min3A_434 = arith.constant dense<0x7F800000> : vector<1024xf32>
    %reduce_min3A_435 = vector.multi_reduction <minimumf>, %add3A_433, %reduce_min3A_434 [1] : vector<1024x512xf32> to vector<1024xf32>
    %broadcast_in_dim3A_436 = vector.shape_cast %reduce_min3A_435 : vector<1024xf32> to vector<1024x1xf32>
    %eq3A_437 = vector.broadcast %broadcast_in_dim3A_436 : vector<1024x1xf32> to vector<1024x512xf32>
    %eq3A_438 = arith.cmpf oeq, %add3A_433, %eq3A_437 : vector<1024x512xf32>
    %jit3A_439 = arith.constant 8.192000e+03 : f32
    %broadcast_in_dim3A_440 = vector.broadcast %jit3A_439 : f32 to vector<1024x512xf32>
    %select_n3A_441 = arith.select %eq3A_438, %convert_element_type3A_9, %broadcast_in_dim3A_440 : vector<1024x512xi1>, vector<1024x512xf32>
    %reduce_min3A_442 = arith.constant dense<0x7F800000> : vector<1024xf32>
    %reduce_min3A_443 = vector.multi_reduction <minimumf>, %select_n3A_441, %reduce_min3A_442 [1] : vector<1024x512xf32> to vector<1024xf32>
    %broadcast_in_dim3A_444 = vector.shape_cast %reduce_min3A_443 : vector<1024xf32> to vector<1024x1xf32>
    %lt3A_445 = arith.cmpf olt, %broadcast_in_dim3A_436, %convert_element_type3A_417 : vector<1024x1xf32>
    %convert_element_type3A_446 = arith.fptosi %broadcast_in_dim3A_444 : vector<1024x1xf32> to vector<1024x1xi32>
    %add3A_447 = arith.constant 6144 : i32
    %add3A_448 = vector.broadcast %add3A_447 : i32 to vector<1024x1xi32>
    %add3A_449 = arith.addi %convert_element_type3A_446, %add3A_448 : vector<1024x1xi32>
    %select_n3A_450 = arith.select %lt3A_445, %add3A_449, %select_n3A_414 : vector<1024x1xi1>, vector<1024x1xi32>
    %select_n3A_451 = arith.select %lt3A_445, %broadcast_in_dim3A_436, %convert_element_type3A_417 : vector<1024x1xi1>, vector<1024x1xf32>
    %get3A_452 = arith.constant 6656 : index
    %get3A_453 = arith.constant 0 : index
    %get3A_454 = vector.load %arg2[%get3A_452, %get3A_453] : memref<8192x256xf32, #tpu.memory_space<vmem>>, vector<512x256xf32>
    %get3A_455 = arith.constant 0 : index
    %get3A_456 = arith.constant 6656 : index
    %get3A_457 = vector.load %arg4[%get3A_455, %get3A_456] : memref<1x8192xf32, #tpu.memory_space<vmem>>, vector<1x512xf32>
    %convert_element_type3A_458 = arith.truncf %get3A_454 : vector<512x256xf32> to vector<512x256xbf16>
    %dot_general3A_459 = arith.constant dense<0.000000e+00> : vector<1024x512xf32>
    %dot_general3A_460 = tpu.matmul %convert_element_type3A_10, %convert_element_type3A_458, %dot_general3A_459 {dimension_numbers = #tpu.dot_dimension_numbers<[1], [1], [0], [0], [0, 0, 1, 0], [], []>, transpose_lhs_hint = false} : vector<1024x256xbf16>, vector<512x256xbf16>, vector<1024x512xf32> -> vector<1024x512xf32>
    %mul3A_461 = arith.constant 2.000000e+00 : f32
    %mul3A_462 = vector.broadcast %mul3A_461 : f32 to vector<1024x512xf32>
    %mul3A_463 = arith.mulf %mul3A_462, %dot_general3A_460 : vector<1024x512xf32>
    %sub3A_464 = vector.broadcast %broadcast_in_dim3A : vector<1024x1xf32> to vector<1024x512xf32>
    %sub3A_465 = arith.subf %sub3A_464, %mul3A_463 : vector<1024x512xf32>
    %add3A_466 = vector.broadcast %get3A_457 : vector<1x512xf32> to vector<1024x512xf32>
    %add3A_467 = arith.addf %sub3A_465, %add3A_466 : vector<1024x512xf32>
    %reduce_min3A_468 = arith.constant dense<0x7F800000> : vector<1024xf32>
    %reduce_min3A_469 = vector.multi_reduction <minimumf>, %add3A_467, %reduce_min3A_468 [1] : vector<1024x512xf32> to vector<1024xf32>
    %broadcast_in_dim3A_470 = vector.shape_cast %reduce_min3A_469 : vector<1024xf32> to vector<1024x1xf32>
    %eq3A_471 = vector.broadcast %broadcast_in_dim3A_470 : vector<1024x1xf32> to vector<1024x512xf32>
    %eq3A_472 = arith.cmpf oeq, %add3A_467, %eq3A_471 : vector<1024x512xf32>
    %jit3A_473 = arith.constant 8.192000e+03 : f32
    %broadcast_in_dim3A_474 = vector.broadcast %jit3A_473 : f32 to vector<1024x512xf32>
    %select_n3A_475 = arith.select %eq3A_472, %convert_element_type3A_9, %broadcast_in_dim3A_474 : vector<1024x512xi1>, vector<1024x512xf32>
    %reduce_min3A_476 = arith.constant dense<0x7F800000> : vector<1024xf32>
    %reduce_min3A_477 = vector.multi_reduction <minimumf>, %select_n3A_475, %reduce_min3A_476 [1] : vector<1024x512xf32> to vector<1024xf32>
    %broadcast_in_dim3A_478 = vector.shape_cast %reduce_min3A_477 : vector<1024xf32> to vector<1024x1xf32>
    %lt3A_479 = arith.cmpf olt, %broadcast_in_dim3A_470, %select_n3A_451 : vector<1024x1xf32>
    %convert_element_type3A_480 = arith.fptosi %broadcast_in_dim3A_478 : vector<1024x1xf32> to vector<1024x1xi32>
    %add3A_481 = arith.constant 6656 : i32
    %add3A_482 = vector.broadcast %add3A_481 : i32 to vector<1024x1xi32>
    %add3A_483 = arith.addi %convert_element_type3A_480, %add3A_482 : vector<1024x1xi32>
    %select_n3A_484 = arith.select %lt3A_479, %add3A_483, %select_n3A_450 : vector<1024x1xi1>, vector<1024x1xi32>
    %select_n3A_485 = arith.select %lt3A_479, %broadcast_in_dim3A_470, %select_n3A_451 : vector<1024x1xi1>, vector<1024x1xf32>
    %get3A_486 = arith.constant 7168 : index
    %get3A_487 = arith.constant 0 : index
    %get3A_488 = vector.load %arg2[%get3A_486, %get3A_487] : memref<8192x256xf32, #tpu.memory_space<vmem>>, vector<512x256xf32>
    %get3A_489 = arith.constant 0 : index
    %get3A_490 = arith.constant 7168 : index
    %get3A_491 = vector.load %arg4[%get3A_489, %get3A_490] : memref<1x8192xf32, #tpu.memory_space<vmem>>, vector<1x512xf32>
    %convert_element_type3A_492 = arith.truncf %get3A_488 : vector<512x256xf32> to vector<512x256xbf16>
    %dot_general3A_493 = arith.constant dense<0.000000e+00> : vector<1024x512xf32>
    %dot_general3A_494 = tpu.matmul %convert_element_type3A_10, %convert_element_type3A_492, %dot_general3A_493 {dimension_numbers = #tpu.dot_dimension_numbers<[1], [1], [0], [0], [0, 0, 1, 0], [], []>, transpose_lhs_hint = false} : vector<1024x256xbf16>, vector<512x256xbf16>, vector<1024x512xf32> -> vector<1024x512xf32>
    %mul3A_495 = arith.constant 2.000000e+00 : f32
    %mul3A_496 = vector.broadcast %mul3A_495 : f32 to vector<1024x512xf32>
    %mul3A_497 = arith.mulf %mul3A_496, %dot_general3A_494 : vector<1024x512xf32>
    %sub3A_498 = vector.broadcast %broadcast_in_dim3A : vector<1024x1xf32> to vector<1024x512xf32>
    %sub3A_499 = arith.subf %sub3A_498, %mul3A_497 : vector<1024x512xf32>
    %add3A_500 = vector.broadcast %get3A_491 : vector<1x512xf32> to vector<1024x512xf32>
    %add3A_501 = arith.addf %sub3A_499, %add3A_500 : vector<1024x512xf32>
    %reduce_min3A_502 = arith.constant dense<0x7F800000> : vector<1024xf32>
    %reduce_min3A_503 = vector.multi_reduction <minimumf>, %add3A_501, %reduce_min3A_502 [1] : vector<1024x512xf32> to vector<1024xf32>
    %broadcast_in_dim3A_504 = vector.shape_cast %reduce_min3A_503 : vector<1024xf32> to vector<1024x1xf32>
    %eq3A_505 = vector.broadcast %broadcast_in_dim3A_504 : vector<1024x1xf32> to vector<1024x512xf32>
    %eq3A_506 = arith.cmpf oeq, %add3A_501, %eq3A_505 : vector<1024x512xf32>
    %jit3A_507 = arith.constant 8.192000e+03 : f32
    %broadcast_in_dim3A_508 = vector.broadcast %jit3A_507 : f32 to vector<1024x512xf32>
    %select_n3A_509 = arith.select %eq3A_506, %convert_element_type3A_9, %broadcast_in_dim3A_508 : vector<1024x512xi1>, vector<1024x512xf32>
    %reduce_min3A_510 = arith.constant dense<0x7F800000> : vector<1024xf32>
    %reduce_min3A_511 = vector.multi_reduction <minimumf>, %select_n3A_509, %reduce_min3A_510 [1] : vector<1024x512xf32> to vector<1024xf32>
    %broadcast_in_dim3A_512 = vector.shape_cast %reduce_min3A_511 : vector<1024xf32> to vector<1024x1xf32>
    %lt3A_513 = arith.cmpf olt, %broadcast_in_dim3A_504, %select_n3A_485 : vector<1024x1xf32>
    %convert_element_type3A_514 = arith.fptosi %broadcast_in_dim3A_512 : vector<1024x1xf32> to vector<1024x1xi32>
    %add3A_515 = arith.constant 7168 : i32
    %add3A_516 = vector.broadcast %add3A_515 : i32 to vector<1024x1xi32>
    %add3A_517 = arith.addi %convert_element_type3A_514, %add3A_516 : vector<1024x1xi32>
    %select_n3A_518 = arith.select %lt3A_513, %add3A_517, %select_n3A_484 : vector<1024x1xi1>, vector<1024x1xi32>
    %select_n3A_519 = arith.select %lt3A_513, %broadcast_in_dim3A_504, %select_n3A_485 : vector<1024x1xi1>, vector<1024x1xf32>
    %get3A_520 = arith.constant 7680 : index
    %get3A_521 = arith.constant 0 : index
    %get3A_522 = vector.load %arg2[%get3A_520, %get3A_521] : memref<8192x256xf32, #tpu.memory_space<vmem>>, vector<512x256xf32>
    %get3A_523 = arith.constant 0 : index
    %get3A_524 = arith.constant 7680 : index
    %get3A_525 = vector.load %arg4[%get3A_523, %get3A_524] : memref<1x8192xf32, #tpu.memory_space<vmem>>, vector<1x512xf32>
    %convert_element_type3A_526 = arith.truncf %get3A_522 : vector<512x256xf32> to vector<512x256xbf16>
    %dot_general3A_527 = arith.constant dense<0.000000e+00> : vector<1024x512xf32>
    %dot_general3A_528 = tpu.matmul %convert_element_type3A_10, %convert_element_type3A_526, %dot_general3A_527 {dimension_numbers = #tpu.dot_dimension_numbers<[1], [1], [0], [0], [0, 0, 1, 0], [], []>, transpose_lhs_hint = false} : vector<1024x256xbf16>, vector<512x256xbf16>, vector<1024x512xf32> -> vector<1024x512xf32>
    %mul3A_529 = arith.constant 2.000000e+00 : f32
    %mul3A_530 = vector.broadcast %mul3A_529 : f32 to vector<1024x512xf32>
    %mul3A_531 = arith.mulf %mul3A_530, %dot_general3A_528 : vector<1024x512xf32>
    %sub3A_532 = vector.broadcast %broadcast_in_dim3A : vector<1024x1xf32> to vector<1024x512xf32>
    %sub3A_533 = arith.subf %sub3A_532, %mul3A_531 : vector<1024x512xf32>
    %add3A_534 = vector.broadcast %get3A_525 : vector<1x512xf32> to vector<1024x512xf32>
    %add3A_535 = arith.addf %sub3A_533, %add3A_534 : vector<1024x512xf32>
    %reduce_min3A_536 = arith.constant dense<0x7F800000> : vector<1024xf32>
    %reduce_min3A_537 = vector.multi_reduction <minimumf>, %add3A_535, %reduce_min3A_536 [1] : vector<1024x512xf32> to vector<1024xf32>
    %broadcast_in_dim3A_538 = vector.shape_cast %reduce_min3A_537 : vector<1024xf32> to vector<1024x1xf32>
    %eq3A_539 = vector.broadcast %broadcast_in_dim3A_538 : vector<1024x1xf32> to vector<1024x512xf32>
    %eq3A_540 = arith.cmpf oeq, %add3A_535, %eq3A_539 : vector<1024x512xf32>
    %jit3A_541 = arith.constant 8.192000e+03 : f32
    %broadcast_in_dim3A_542 = vector.broadcast %jit3A_541 : f32 to vector<1024x512xf32>
    %select_n3A_543 = arith.select %eq3A_540, %convert_element_type3A_9, %broadcast_in_dim3A_542 : vector<1024x512xi1>, vector<1024x512xf32>
    %reduce_min3A_544 = arith.constant dense<0x7F800000> : vector<1024xf32>
    %reduce_min3A_545 = vector.multi_reduction <minimumf>, %select_n3A_543, %reduce_min3A_544 [1] : vector<1024x512xf32> to vector<1024xf32>
    %broadcast_in_dim3A_546 = vector.shape_cast %reduce_min3A_545 : vector<1024xf32> to vector<1024x1xf32>
    %lt3A_547 = arith.cmpf olt, %broadcast_in_dim3A_538, %select_n3A_519 : vector<1024x1xf32>
    %convert_element_type3A_548 = arith.fptosi %broadcast_in_dim3A_546 : vector<1024x1xf32> to vector<1024x1xi32>
    %add3A_549 = arith.constant 7680 : i32
    %add3A_550 = vector.broadcast %add3A_549 : i32 to vector<1024x1xi32>
    %add3A_551 = arith.addi %convert_element_type3A_548, %add3A_550 : vector<1024x1xi32>
    %select_n3A_552 = arith.select %lt3A_547, %add3A_551, %select_n3A_518 : vector<1024x1xi1>, vector<1024x1xi32>
    %swap3A = arith.constant 0 : index
    %swap3A_553 = arith.constant 0 : index
    %swap3A_554 = vector.load %arg3[%swap3A, %swap3A_553] : memref<1024x1xi32, #tpu.memory_space<vmem>>, vector<1024x1xi32>
    tpu.vector_store %arg3[%swap3A, %swap3A_553], %select_n3A_552 {strides = array<i32>} : memref<1024x1xi32, #tpu.memory_space<vmem>>, vector<1024x1xi32>,
    return
  }
  func.func @transform_0(%arg0: i32) -> (i32, i32) {
    %c0_i32 = arith.constant 0 : i32
    %c0_i32_0 = arith.constant 0 : i32
    return %arg0, %c0_i32 : i32, i32
  }
  func.func @transform_1(%arg0: i32) -> (i32, i32) {
    %c0_i32 = arith.constant 0 : i32
    %c0_i32_0 = arith.constant 0 : i32
    %c0_i32_1 = arith.constant 0 : i32
    return %c0_i32, %c0_i32_0 : i32, i32
  }
  func.func @transform_2(%arg0: i32) -> (i32, i32) {
    %c0_i32 = arith.constant 0 : i32
    %c0_i32_0 = arith.constant 0 : i32
    return %arg0, %c0_i32 : i32, i32
  }
}

</mosaic_0001>

<sc_bundles>
// kernel: kernel.4.cloned.1.call-start
scs
__scs_entry_jumppad:
0x0: {  	(pc) =	sbr.rel $0x88, $3  }
0x1: {  	(tag) =	ssettag $0x0;
	lr =	simm.s32 $0x1  }
0x2: {  	[smem:$0x3F9F] =	sst lr;
	_ =	strace $0xD0000000  }
0x3: {  	_ = 	snop  }
0x4: {  	_ = 	snop  }
0x5: {  	_ = 	snop  }
0x6: {  	_ = 	snop  }
0x7: {  	_ = 	snop  }
__scs_overlays_trampoline_lowered:
0x8: {  	[smem:$0x3FAE] =	sst s0  }
0x9: {  	[smem:$0x3FAF] =	sst s1  }
0xa: {  	[smem:$0x3FB0] =	sst s2  }
0xb: {  	[smem:$0x3FB1] =	sst s3  }
0xc: {  	[smem:$0x3FB2] =	sst s4  }
0xd: {  	[smem:$0x3FB3] =	sst s5  }
0xe: {  	[smem:$0x3FB4] =	sst s6  }
0xf: {  	[smem:$0x3FB5] =	sst s7  }
0x10: {  	[smem:$0x3FB6] =	sst s8  }
0x11: {  	[smem:$0x3FB7] =	sst s9;
	s0 =	simm.s32 @!p0 $0x0  }
0x12: {  	s1 =	sld [smem:$0x3F9D];
	s0 =	simm.s32 @p0 $0x1  }
0x13: {  	[smem:$0x3FB8] =	sst s0;
	s0 =	simm.s32 @!p1 $0x0  }
0x14: {  	s2 =	sld [smem:$0x3F9C];
	s0 =	simm.s32 @p1 $0x1  }
0x15: {  	[smem:$0x3FB9] =	sst s0;
	s0 =	simm.s32 @!p2 $0x0  }
0x16: {  	s3 =	sld [smem:$0x3FDB];
	s0 =	simm.s32 @p2 $0x1  }
0x17: {  	s4 =	simm.s32 $0x1BF5;
	[smem:$0x3FBB] =	sst s0  }
0x18: {  	s0 =	sld [smem:$0x3F9E];
	_ =	swait.ge [sflag:s4], $0x0  }
0x19: {  	s7 =	sld [smem:$0x3F9F]  }
0x1a: {  	s8 =	sadd.s32 $0xFFFFE003, lr  }
0x1b: {  	s9 =	sadd.s32 $0xFFFFFEF7, lr;
	s5 =	simm.s32 $0xFFFFFFFF;
	p2 =	slt.u32 s8, $0xFFFFF086  }
0x1c: {  	p1 =	slt.u32 s9, $0xF7A;
	s5 =	simm.s32 @!p2 $0x0  }
0x1d: {  	s5 =	simm.s32 @p1 $0x1;
	p0 =	seq.s32 s7, s2  }
0x1e: {  	s7 =	smul.u32 @!p0 $0xF7A, s2;
	p2 =	seq.s32 @!p0 s5, $0x0  }
0x1f: {  	s9 =	smul.u32 $0xF7A, s1;
	s8 =	simm.s32 @!p0 $0x1BF5;
	p2 =	por !p2, p0  }
0x20: {  	[sflag:s8] =	ssyncset.s32 @!p0 $0xFFFFF086;
	s6 =	sadd.s32 @!p0 s3, s7;
	s7 =	simm.s32 @!p0 $0x108  }
0x21: {  	s3 =	sadd.s32 s3, s9;
	s6 =	sadd.s32 @!p0 $0x88, s6;
	s7 =	simm.s32 @p2 $0x1082  }
0x22: {  	[simem:s7], [sflag:s8] =	dma.local @!p0 [hbm:s6], $0xF7A  }
0x23: {  	s9 =	sor.u32 $0xD0000000, s2;
	s6 =	simm.s32 $0x108;
	_ =	swait.ge @!p0 [sflag:s8], $0x0  }
0x24: {  	s3 =	sadd.s32 $0x88, s3;
	s6 =	simm.s32 @!p1 $0x1082;
	[sflag:s4] =	ssyncset.s32 $0xFFFFF086  }
0x25: {  	[simem:s6], [sflag:s4] =	dma.local [hbm:s3], $0xF7A  }
0x26: {  	[smem:$0x3F9F] =	sst s1;
	(tag) =	ssettag s2;
	_ =	strace s9  }
0x27: {  	s1 =	sld [smem:$0x3FAF]  }
0x28: {  	s2 =	sld [smem:$0x3FB0]  }
0x29: {  	s4 =	sld [smem:$0x3FB2]  }
0x2a: {  	p0 =	seq.s32 s5, $0x0;
	s5 =	sld [smem:$0x3FB3]  }
0x2b: {  	s6 =	sld [smem:$0x3FB4]  }
0x2c: {  	s7 =	sld [smem:$0x3FB5]  }
0x2d: {  	s3 =	simm.s32 $0x108;
	s8 =	sld [smem:$0x3FB6]  }
0x2e: {  	s3 =	simm.s32 @!p0 $0x1082;
	s9 =	sld [smem:$0x3FB7]  }
0x2f: {  	lr =	sadd.s32 s0, s3;
	s0 =	sld [smem:$0x3FAE]  }
0x30: {  	s3 =	sld [smem:$0x3FB1]  }
0x31: {  	[smem:$0x3FBA] =	sst s10  }
0x32: {  	s10 =	sld [smem:$0x3FB8];
	_ =	sdelay $0x3  }
0x33: {  	p0 =	seq.s32 s10, $0x1;
	s10 =	sld [smem:$0x3FBA];
	_ =	sdelay $0x3  }
0x34: {  	[smem:$0x3FBA] =	sst s10  }
0x35: {  	s10 =	sld [smem:$0x3FB9];
	_ =	sdelay $0x3  }
0x36: {  	p1 =	seq.s32 s10, $0x1;
	s10 =	sld [smem:$0x3FBA];
	_ =	sdelay $0x3  }
0x37: {  	[smem:$0x3FBA] =	sst s10  }
0x38: {  	s10 =	sld [smem:$0x3FBB]  }
0x39: {  	_ = 	snop;
	(pc) =	sbr.ind lr, $3  }
0x3a: {  	_ = 	snop  }
0x3b: {  	_ = 	snop  }
0x3c: {  	p2 =	seq.s32 s10, $0x1;
	s10 =	sld [smem:$0x3FBA]  }
0x3d: {  	_ =	shalt  }
0x3e: {  	_ =	shalt  }
0x3f: {  	_ =	shalt  }
0x40: {  	_ =	shalt  }
0x41: {  	_ =	shalt  }
0x42: {  	_ =	shalt  }
0x43: {  	_ =	shalt  }
0x44: {  	_ =	shalt  }
0x45: {  	_ =	shalt  }
0x46: {  	_ =	shalt  }
0x47: {  	_ =	shalt  }
0x48: {  	_ =	shalt  }
0x49: {  	_ =	shalt  }
0x4a: {  	_ =	shalt  }
0x4b: {  	_ =	shalt  }
0x4c: {  	_ =	shalt  }
0x4d: {  	_ =	shalt  }
0x4e: {  	_ =	shalt  }
0x4f: {  	_ =	shalt  }
0x50: {  	_ =	shalt  }
0x51: {  	_ =	shalt  }
0x52: {  	_ =	shalt  }
0x53: {  	_ =	shalt  }
0x54: {  	_ =	shalt  }
0x55: {  	_ =	shalt  }
0x56: {  	_ =	shalt  }
0x57: {  	_ =	shalt  }
0x58: {  	_ =	shalt  }
0x59: {  	_ =	shalt  }
0x5a: {  	_ =	shalt  }
0x5b: {  	_ =	shalt  }
0x5c: {  	_ =	shalt  }
0x5d: {  	_ =	shalt  }
0x5e: {  	_ =	shalt  }
0x5f: {  	_ =	shalt  }
0x60: {  	_ =	shalt  }
0x61: {  	_ =	shalt  }
0x62: {  	_ =	shalt  }
0x63: {  	_ =	shalt  }
0x64: {  	_ =	shalt  }
0x65: {  	_ =	shalt  }
0x66: {  	_ =	shalt  }
0x67: {  	_ =	shalt  }
0x68: {  	_ =	shalt  }
0x69: {  	_ =	shalt  }
0x6a: {  	_ =	shalt  }
0x6b: {  	_ =	shalt  }
0x6c: {  	_ =	shalt  }
0x6d: {  	_ =	shalt  }
0x6e: {  	_ =	shalt  }
0x6f: {  	_ =	shalt  }
0x70: {  	_ =	shalt  }
0x71: {  	_ =	shalt  }
0x72: {  	_ =	shalt  }
0x73: {  	_ =	shalt  }
0x74: {  	_ =	shalt  }
0x75: {  	_ =	shalt  }
0x76: {  	_ =	shalt  }
0x77: {  	_ =	shalt  }
0x78: {  	_ =	shalt  }
0x79: {  	_ =	shalt  }
0x7a: {  	_ =	shalt  }
0x7b: {  	_ =	shalt  }
0x7c: {  	_ =	shalt  }
0x7d: {  	_ =	shalt  }
0x7e: {  	_ =	shalt  }
0x7f: {  	_ =	shalt  }
0x80: {  	_ =	shalt  }
0x81: {  	_ =	shalt  }
0x82: {  	_ =	shalt  }
0x83: {  	_ =	shalt  }
0x84: {  	_ =	shalt  }
0x85: {  	_ =	shalt  }
0x86: {  	_ =	shalt  }
0x87: {  	_ =	shalt  }
.Lfunc_end0:
.L_simem_size_0:
called_computation_lowered:
.L_overlay_start_0:
0x88: {  	s2 =	sld [smem:$0x3FD9]  }
0x89: {  	s3 =	sld [smem:$0x3FFE];
	_ =	sdelay $0x1  }
0x8a: {  	s1 =	srdreg.scid  }
0x8b: {  	s0 =	sand.u32 $0x1, s1  }
0x8c: {  	s17 =	sshll.u32 s0, $0xA;
	s2 =	sadd.s32 s3, s2  }
0x8d: {  	s2 =	sadd.s32 s2, s17  }
0x8e: {  	[smem:$0x3FC6] =	sst s2  }
0x8f: {  	_ = 	snop  }
0x90: {  	s2 =	sld [smem:$0x3FC8]  }
0x91: {  	s18 =	sld [smem:$0x3FD0];
	(tm) =	ssettm $0x1  }
0x92: {  	s4 =	sld [smem:$0x3FFB];
	_ =	sdelay $0x3  }
0x93: {  	_ =	strace s4  }
0x94: {  	s4 =	sld [smem:$0x3FFC];
	_ =	sdelay $0x3  }
0x95: {  	_ =	strace s4  }
0x96: {  	s4 =	sld [smem:$0x3FFD];
	_ =	sdelay $0x3  }
0x97: {  	_ =	strace s4  }
0x98: {  	_ =	strace $0x8FFFFFFF  }
0x99: {  	s19 =	sld [smem:$0x3FDB];
	_ =	sdelay $0x1  }
0x9a: {  	s5 =	simm.s32 $_scs_section_size  }
0x9b: {  	s6 =	simm.s32 $_size__tile_overlayer_lowered;
	s7 =	simm.s32 $_tile_overlayer_lowered  }
0x9c: {  	s22 =	simm.s32 $0x1BFF;
	s21 =	sshll.u32 s7, $0x1;
	s4 =	sadd.s32 s5, s19  }
0x9d: {  	s8 =	simm.s32 $0x0;
	s20 =	sshll.u32 s6, $0x1;
	s6 =	sadd.s32 s21, s4  }
0x9e: {  	[timem:s8], [sflag:s22] =	dma.local [hbm:s6], s20  }
0x9f: {  	_ =	swait.ge [sflag:s22], s20  }
0xa0: {  	s5 =	ssub.s32 $0x0, s20;
	[sflag:s22] =	ssyncset.done $0x0  }
0xa1: {  	[sflag:s22] =	ssyncadd.s32 s5;
	_ =	sdelay $0x1  }
0xa2: {  	s23 =	simm.s32 $0x1B8B  }
0xa3: {  	_ =	swait.ge [sflag:s23], $0x1  }
0xa4: {  	[sflag:s23] =	ssyncset.done $0x0  }
0xa5: {  	s25 =	simm.s32 $0x1B8E;
	s24 =	sld [smem:$0x3FFE];
	[sflag:s23] =	ssyncadd.s32 $0xFFFFFFFF  }
0xa6: {  	s26 =	simm.s32 $execute0_lowered;
	[smem:$0x3FD2] =	sst s25  }
0xa7: {  	s6 =	sshll.u32 s26, $0x1;
	_ =	strace $0x80000046;
	[dreg:$0x1] =	wrdreg $0xFFFFFFFF  }
0xa8: {  	s28 =	simm.s32 $_size_execute0_lowered;
	s4 =	sadd.s32 s4, s6;
	[dreg:$0x0] =	wrdreg $0x0  }
0xa9: {  	s6 =	sshll.u32 s28, $0x1;
	[dreg:$0x2] =	wrdreg s4  }
0xaa: {  	[dreg:$0x3] =	wrdreg s6  }
0xab: {  	[dreg:$0x4] =	wrdreg $0xC0  }
0xac: {  	_ =	task [dreg:s8], $0x5FFFF  }
0xad: {  	[dreg:$0x1] =	wrdreg $0xFFFFFFFF  }
0xae: {  	[dreg:$0x0] =	wrdreg $0x60  }
0xaf: {  	[dreg:$0x2] =	wrdreg s2  }
0xb0: {  	[dreg:$0x3] =	wrdreg s24  }
0xb1: {  	[dreg:$0x4] =	wrdreg s18  }
0xb2: {  	[dreg:$0x5] =	wrdreg $0x9  }
0xb3: {  	_ =	task.clear_ibuf [dreg:s8], $0x6FFFF;
	_ =	strace $0x90000046  }
0xb4: {  	s29 =	simm.s32 $0x9;
	_ =	strace $0x8000004F  }
0xb5: {  	_ =	swait.ge [sflag:s29], $0x1  }
0xb6: {  	[sflag:s29] =	ssyncadd.s32 $0xFFFFFFFF  }
0xb7: {  	_ =	strace $0x9000004F  }
0xb8: {  	_ =	sfence  }
0xb9: {  	s30 =	sld [smem:$0x0];
	_ =	sdelay $0x2  }
0xba: {  	s31 =	sshll.u32 s1, $0xD;
	s1 =	sshrl.u32 s1, $0x2  }
0xbb: {  	s3 =	sand.u32 $0x4000, s31;
	s1 =	sadd.s32 s1, s30  }
0xbc: {  	s0 =	sor.u32 s3, s0;
	s1 =	sshll.u32 s1, $0x11  }
0xbd: {  	s0 =	sor.u32 s1, s0  }
0xbe: {  	s0 =	sadd.s32 $0x8F2B, s0  }
0xbf: {  	[sflag:s0] =	ssyncadd.remote.s32 $0x1  }
0xc0: {  	_ =	sfence.sel $0xFFFF  }
0xc1: {  	[dreg:$0x0] =	wrdreg $0xFFFFFFFF;
	(pc) =	sbr.abs _section_cstart, $3  }
0xc2: {  	[dreg:$0x1] =	wrdreg $0xFFFFFFFF  }
0xc3: {  	_ =	task.clear_ibuf [dreg:s8], $0x2FFFF;
	_ =	strace $0x9FFFFFFF  }
0xc4: {  	(tm) =	ssettm $0x7FFFFFFF  }
0xc5: {  	_ =	shalt  }
tec
execute0_lowered:
.L_overlay_start_1:
0x0: {  	(tag) =	ssettag $0x1  }
0x1: {  	s1 =	rddreg [dreg:$0x0]  }
0x2: {  	s5 =	rddreg [dreg:$0x1]  }
0x3: {  	s2 =	rddreg [dreg:$0x2]  }
0x4: {  	s0 =	rddreg [dreg:$0x3];
	s4 =	simm.s32 $0x0;
	s3 =	srdreg.scid  }
0x5: {  	s9 =	simm.s32 $0x5;
	s10 =	simm.s32 $0x4;
	s11 =	simm.s32 $0x0  }
.Ltmp0:
0x6: {  	[smem:$0x7FF] =	sst s4;
	s6 =	sand.u32 $0x1, s3;
	(pc) =	sbr.rel .LBB2_1-.Ltmp0, $4  }
0x7: {  	s3 =	stileid.u32;
	s7 =	ssub.s32 $0x2, s6;
	s6 =	sshll.u32 s6, $0x4  }
0x8: {  	v2 =	vlaneseq.u32;
	s5 =	sadd.s32 $0x400, s5;
	s8 =	sshrl.u32 s7, $0x1;
	s6 =	sor.u32 s3, s6  }
0x9: {  	vm0 =	vmmov $0xffff;
	v1 =	vshrl.u32 v2, $0x3;
	_ =	strace $0x80000047;
	s8 =	ssub.s32 s7, s8;
	s31 =	sshll.u32 s6, $0x5  }
0xa: {  	v0 =	vand.u32 $0x7, v2;
	v2 =	vor.u32 $0x8, v2;
	v1 =	vmul.u32 $0x8, v1;
	s6 =	sshll.u32 s6, $0x1;
	s7 =	sadd.s32 s5, s31;
	s8 =	smax.u32 s8, $0x1  }
.LBB2_4:
0xb: {  	s12 =	sand.u32 $0x1, s12  }
0xc: {  	_ =	strace $0x8000004D;
	s12 =	sadd.s32 $0x3, s12  }
0xd: {  	_ =	swait.ge [sflag:s12], $0x8000  }
0xe: {  	[sflag:s12] =	ssyncset.done $0x0  }
0xf: {  	s11 =	sadd.s32 $0x1, s11;
	[sflag:s12] =	ssyncadd.s32 $0xFFFF8000  }
0x10: {  	p0 =	sne.s32 s11, s8;
	_ =	strace $0x9000004D  }
.Ltmp1:
0x11: {  	_ =	strace $0x8000004E;
	(pc) =	sbr.rel @!p0 .LBB2_5-.Ltmp1, $4  }
0x12: {  	_ =	swait.ge [sflag:s10], $0x8000  }
0x13: {  	[sflag:s10] =	ssyncset.done $0x0  }
0x14: {  	[sflag:s10] =	ssyncadd.s32 $0xFFFF8000  }
0x15: {  	_ =	strace $0x9000004E  }
.LBB2_1:
0x16: {  	_ =	strace $0x80000048  }
0x17: {  	p0 =	por $0x1, $0x1;
	p2 =	por $0x0, $0x0;
	s13 =	simm.s32 $0x0  }
0x18: {  	s12 =	simm.s32 $0x0;
	s17 =	simm.s32 $0x0;
	s14 =	simm.s32 $0x0  }
0x19: {  	[tilespmem:s4], [sflag:$0x1] =	stream.linear.gather [hbm4b:s7+s4], $0x80, $0x200038;
	[tilespmem:$0x10100] =	vst v63  }
0x1a: {  	s15 =	simm.s32 $0x1;
	s16 =	simm.s32 $0x0;
	_ =	strace $0x90000048  }
.LBB2_2:
0x1b: {  	s18 =	smov.u32 s13;
	s13 =	sadd.s32 $0x1, s13  }
0x1c: {  	p1 =	seq.s32 s13, $0x2  }
0x1d: {  	s13 =	simm.s32 @p1 $0x0  }
0x1e: {  	p1 =	sne.s32 s18, s13  }
0x1f: {  	p1 =	por !p0, !p1  }
0x20: {  	p1 =	por !p1, !p1  }
0x21: {  	s19 =	sadd.s32 @p1 s6, s13  }
0x22: {  	s20 =	sand.u32 @p1 $0x1, s15;
	s19 =	sshll.u32 @p1 s19, $0x4  }
0x23: {  	_ =	strace @p1 $0x80000049;
	s22 =	simm.s32 @p1 $0x0;
	s19 =	sand.u32 @p1 $0x1FFFFFF0, s19  }
0x24: {  	s21 =	sshll.u32 @p1 s20, $0x7;
	s20 =	sadd.s32 @p1 $0x1, s20;
	s19 =	sadd.s32 @p1 s5, s19  }
0x25: {  	[tilespmem:s21], [sflag:s20] =	stream.linear.gather @p1 [hbm4b:s19+s22], $0x80, $0x200038;
	[tilespmem:$0x10100] =	vst v63  }
0x26: {  	s23 =	sand.u32 $0x1, s14;
	_ =	strace @p1 $0x90000049  }
0x27: {  	s19 =	sadd.s32 $0x1, s23;
	_ =	strace $0x8000004A  }
0x28: {  	_ =	swait.ge [sflag:s19], $0x80  }
0x29: {  	[sflag:s19] =	ssyncset.done $0x0  }
0x2a: {  	[sflag:s19] =	ssyncadd.s32 $0xFFFFFF80  }
0x2b: {  	s24 =	sshll.u32 s14, $0x7;
	_ =	strace $0x9000004A  }
0x2c: {  	s22 =	sand.u32 $0x80, s24;
	_ =	strace $0x8000004B  }
0x2d: {  	v3 =	vld [tilespmem:s22+$0x0];
	_ =	sdelay $0x4  }
0x2e: {  	v4 =	vshll.u32 v3, $0x1  }
0x2f: {  	v3 =	vand.u32 $0x7, v3;
	v4 =	vand.u32 $0xFFFFFFF0, v4  }
0x30: {  	v3 =	vor.u32 v3, v4  }
0x31: {  	v4 =	vperm.xlane v3, v0;
	_ =	sdelay $0x1  }
0x32: {  	v3 =	vperm.xlane v3, v2;
	v4 =	vadd.s32 v1, v4;
	_ =	sdelay $0x1  }
0x33: {  	s19 =	sand.u32 $0x1, s17;
	v3 =	vadd.s32 v1, v3  }
0x34: {  	s21 =	sshll.u32 s19, $0xF  }
0x35: {  	s20 =	sor.u32 $0x100, s21  }
0x36: {  	[tilespmem:s20], [sflag:$0x5] =	stream.indirect_vreg.gather [hbm4b:s1+s4], $0x80, v4, vm0, $0x2000b8;
	[tilespmem:$0x10100] =	vst v63  }
0x37: {  	s23 =	sor.u32 $0x900, s21  }
0x38: {  	[tilespmem:s23], [sflag:$0x5] =	stream.indirect_vreg.gather [hbm4b:s1+s4], $0x80, v3, vm0, $0x2000b8;
	[tilespmem:$0x10100] =	vst v63  }
0x39: {  	v3 =	vld [tilespmem:s22+$0x10];
	_ =	sdelay $0x4  }
0x3a: {  	v57 =	vshll.u32 v3, $0x1  }
0x3b: {  	v3 =	vand.u32 $0x7, v3;
	v4 =	vand.u32 $0xFFFFFFF0, v57  }
0x3c: {  	v3 =	vor.u32 v3, v4  }
0x3d: {  	v4 =	vperm.xlane v3, v0;
	_ =	sdelay $0x1  }
0x3e: {  	v3 =	vperm.xlane v3, v2;
	v4 =	vadd.s32 v1, v4;
	_ =	sdelay $0x1  }
0x3f: {  	v3 =	vadd.s32 v1, v3;
	_ =	sdelay $0x1  }
0x40: {  	s25 =	sor.u32 $0x1100, s21  }
0x41: {  	[tilespmem:s25], [sflag:$0x5] =	stream.indirect_vreg.gather [hbm4b:s1+s4], $0x80, v4, vm0, $0x2000b8;
	[tilespmem:$0x10100] =	vst v63  }
0x42: {  	s26 =	sor.u32 $0x1900, s21  }
0x43: {  	[tilespmem:s26], [sflag:$0x5] =	stream.indirect_vreg.gather [hbm4b:s1+s4], $0x80, v3, vm0, $0x2000b8;
	[tilespmem:$0x10100] =	vst v63  }
0x44: {  	v3 =	vld [tilespmem:s22+$0x20];
	_ =	sdelay $0x4  }
0x45: {  	v58 =	vshll.u32 v3, $0x1  }
0x46: {  	v3 =	vand.u32 $0x7, v3;
	v4 =	vand.u32 $0xFFFFFFF0, v58  }
0x47: {  	v3 =	vor.u32 v3, v4  }
0x48: {  	v4 =	vperm.xlane v3, v0;
	_ =	sdelay $0x1  }
0x49: {  	v3 =	vperm.xlane v3, v2;
	v4 =	vadd.s32 v1, v4;
	_ =	sdelay $0x1  }
0x4a: {  	v3 =	vadd.s32 v1, v3;
	_ =	sdelay $0x1  }
0x4b: {  	s28 =	sor.u32 $0x2100, s21  }
0x4c: {  	[tilespmem:s28], [sflag:$0x5] =	stream.indirect_vreg.gather [hbm4b:s1+s4], $0x80, v4, vm0, $0x2000b8;
	[tilespmem:$0x10100] =	vst v63  }
0x4d: {  	s29 =	sor.u32 $0x2900, s21  }
0x4e: {  	[tilespmem:s29], [sflag:$0x5] =	stream.indirect_vreg.gather [hbm4b:s1+s4], $0x80, v3, vm0, $0x2000b8;
	[tilespmem:$0x10100] =	vst v63  }
0x4f: {  	v3 =	vld [tilespmem:s22+$0x30];
	_ =	sdelay $0x4  }
0x50: {  	v59 =	vshll.u32 v3, $0x1  }
0x51: {  	v3 =	vand.u32 $0x7, v3;
	v4 =	vand.u32 $0xFFFFFFF0, v59  }
0x52: {  	v3 =	vor.u32 v3, v4  }
0x53: {  	v4 =	vperm.xlane v3, v0;
	_ =	sdelay $0x1  }
0x54: {  	v3 =	vperm.xlane v3, v2;
	v4 =	vadd.s32 v1, v4;
	_ =	sdelay $0x1  }
0x55: {  	v3 =	vadd.s32 v1, v3;
	_ =	sdelay $0x1  }
0x56: {  	s30 =	sor.u32 $0x3100, s21  }
0x57: {  	[tilespmem:s30], [sflag:$0x5] =	stream.indirect_vreg.gather [hbm4b:s1+s4], $0x80, v4, vm0, $0x2000b8;
	[tilespmem:$0x10100] =	vst v63  }
0x58: {  	s31 =	sor.u32 $0x3900, s21  }
0x59: {  	[tilespmem:s31], [sflag:$0x5] =	stream.indirect_vreg.gather [hbm4b:s1+s4], $0x80, v3, vm0, $0x2000b8;
	[tilespmem:$0x10100] =	vst v63  }
0x5a: {  	v3 =	vld [tilespmem:s22+$0x40];
	_ =	sdelay $0x4  }
0x5b: {  	v60 =	vshll.u32 v3, $0x1  }
0x5c: {  	v3 =	vand.u32 $0x7, v3;
	v4 =	vand.u32 $0xFFFFFFF0, v60  }
0x5d: {  	v3 =	vor.u32 v3, v4  }
0x5e: {  	v4 =	vperm.xlane v3, v0;
	_ =	sdelay $0x1  }
0x5f: {  	v3 =	vperm.xlane v3, v2;
	v4 =	vadd.s32 v1, v4;
	_ =	sdelay $0x1  }
0x60: {  	v3 =	vadd.s32 v1, v3;
	_ =	sdelay $0x1  }
0x61: {  	s24 =	sor.u32 $0x4100, s21  }
0x62: {  	[tilespmem:s24], [sflag:$0x5] =	stream.indirect_vreg.gather [hbm4b:s1+s4], $0x80, v4, vm0, $0x2000b8;
	[tilespmem:$0x10100] =	vst v63  }
0x63: {  	s25 =	sor.u32 $0x4900, s21  }
0x64: {  	[tilespmem:s25], [sflag:$0x5] =	stream.indirect_vreg.gather [hbm4b:s1+s4], $0x80, v3, vm0, $0x2000b8;
	[tilespmem:$0x10100] =	vst v63  }
0x65: {  	v3 =	vld [tilespmem:s22+$0x50];
	_ =	sdelay $0x4  }
0x66: {  	v61 =	vshll.u32 v3, $0x1  }
0x67: {  	v3 =	vand.u32 $0x7, v3;
	v4 =	vand.u32 $0xFFFFFFF0, v61  }
0x68: {  	v3 =	vor.u32 v3, v4  }
0x69: {  	v4 =	vperm.xlane v3, v0;
	_ =	sdelay $0x1  }
0x6a: {  	v3 =	vperm.xlane v3, v2;
	v4 =	vadd.s32 v1, v4;
	_ =	sdelay $0x1  }
0x6b: {  	v3 =	vadd.s32 v1, v3;
	_ =	sdelay $0x1  }
0x6c: {  	s26 =	sor.u32 $0x5100, s21  }
0x6d: {  	[tilespmem:s26], [sflag:$0x5] =	stream.indirect_vreg.gather [hbm4b:s1+s4], $0x80, v4, vm0, $0x2000b8;
	[tilespmem:$0x10100] =	vst v63  }
0x6e: {  	s28 =	sor.u32 $0x5900, s21  }
0x6f: {  	[tilespmem:s28], [sflag:$0x5] =	stream.indirect_vreg.gather [hbm4b:s1+s4], $0x80, v3, vm0, $0x2000b8;
	[tilespmem:$0x10100] =	vst v63  }
0x70: {  	v3 =	vld [tilespmem:s22+$0x60];
	_ =	sdelay $0x4  }
0x71: {  	v62 =	vshll.u32 v3, $0x1  }
0x72: {  	v3 =	vand.u32 $0x7, v3;
	v4 =	vand.u32 $0xFFFFFFF0, v62  }
0x73: {  	v3 =	vor.u32 v3, v4  }
0x74: {  	v4 =	vperm.xlane v3, v0;
	_ =	sdelay $0x1  }
0x75: {  	v3 =	vperm.xlane v3, v2;
	v4 =	vadd.s32 v1, v4;
	_ =	sdelay $0x1  }
0x76: {  	v3 =	vadd.s32 v1, v3;
	_ =	sdelay $0x1  }
0x77: {  	s29 =	sor.u32 $0x6100, s21  }
0x78: {  	[tilespmem:s29], [sflag:$0x5] =	stream.indirect_vreg.gather [hbm4b:s1+s4], $0x80, v4, vm0, $0x2000b8;
	[tilespmem:$0x10100] =	vst v63  }
0x79: {  	s30 =	sor.u32 $0x6900, s21  }
0x7a: {  	[tilespmem:s30], [sflag:$0x5] =	stream.indirect_vreg.gather [hbm4b:s1+s4], $0x80, v3, vm0, $0x2000b8;
	[tilespmem:$0x10100] =	vst v63  }
0x7b: {  	v3 =	vld [tilespmem:s22+$0x70];
	_ =	sdelay $0x4  }
0x7c: {  	v63 =	vshll.u32 v3, $0x1  }
0x7d: {  	v3 =	vand.u32 $0x7, v3;
	v4 =	vand.u32 $0xFFFFFFF0, v63  }
0x7e: {  	v3 =	vor.u32 v3, v4  }
0x7f: {  	v4 =	vperm.xlane v3, v0;
	_ =	sdelay $0x1  }
0x80: {  	v3 =	vperm.xlane v3, v2;
	v4 =	vadd.s32 v1, v4;
	_ =	sdelay $0x1  }
0x81: {  	v3 =	vadd.s32 v1, v3;
	_ =	sdelay $0x1  }
0x82: {  	p2 =	por !p2, !p2;
	p3 =	seq.s32 s18, s13;
	s31 =	sor.u32 $0x7100, s21  }
0x83: {  	[tilespmem:s31], [sflag:$0x5] =	stream.indirect_vreg.gather [hbm4b:s1+s4], $0x80, v4, vm0, $0x2000b8;
	[tilespmem:$0x10100] =	vst v63  }
0x84: {  	p2 =	por !p2, !p3;
	s21 =	sor.u32 $0x7900, s21  }
0x85: {  	[tilespmem:s21], [sflag:$0x5] =	stream.indirect_vreg.gather [hbm4b:s1+s4], $0x80, v3, vm0, $0x2000b8;
	[tilespmem:$0x10100] =	vst v63  }
0x86: {  	s18 =	sadd.s32 s6, s18;
	p2 =	por !p2, !p2;
	_ =	swait.ge [sflag:s9], $0x8000  }
0x87: {  	s18 =	sshll.u32 @!p2 s18, $0xC;
	p0 =	por p2, p0;
	[sflag:s9] =	ssyncset.done $0x0  }
.Ltmp2:
0x88: {  	s18 =	sand.u32 @!p2 $0x1FFFF000, s18;
	[sflag:s9] =	ssyncadd.s32 $0xFFFF8000;
	(pc) =	sbr.rel @!p0 .LBB2_4-.Ltmp2, $4  }
0x89: {  	s18 =	sadd.s32 @!p2 s2, s18;
	_ =	strace $0x9000004B  }
0x8a: {  	s19 =	sadd.s32 @!p2 $0x3, s19;
	s21 =	simm.s32 @!p2 $0x0;
	_ =	strace @!p2 $0x8000004C  }
0x8b: {  	[hbm4b:s18+s21] =	stream.linear.scatter @!p2 [tilespmem:s20], [sflag:s19], $0x8000, $0x200038;
	[tilespmem:$0x10100] =	vst v63  }
0x8c: {  	_ =	strace @!p2 $0x9000004C  }
.Ltmp3:
0x8d: {  	s18 =	simm.s32 $0x1;
	(pc) =	sbr.rel .LBB2_2-.Ltmp3, $4  }
0x8e: {  	s19 =	simm.s32 @!p2 $0x1;
	s12 =	sadd.s32 s16, s12;
	s18 =	simm.s32 @!p1 $0x0  }
0x8f: {  	s16 =	simm.s32 $0x1;
	s15 =	sadd.s32 s18, s15;
	s18 =	sadd.s32 @!p2 $0x1, s17  }
0x90: {  	p0 =	por $0x0, $0x0;
	s19 =	simm.s32 @p2 $0x0;
	s18 =	smov.u32 @p2 s17  }
0x91: {  	s14 =	sadd.s32 s14, s19;
	p2 =	por $0x1, $0x1;
	s17 =	smov.u32 s18  }
.LBB2_5:
0x92: {  	_ =	sfence.sel $0x180000  }
0x93: {  	[bflag:$0x0] =	sbarrier.arrive $0xFFFF  }
0x94: {  	p0 =	sne.s32 s3, $0x0;
	_ =	strace $0x90000047  }
0x95: {  	s0 =	sadd.s32 @!p0 $0x100000, s0;
	[bflag:$0x2] =	sbarrier.arrive $0xFFFF  }
0x96: {  	[sflag:s0] =	ssyncadd.tile.s32 @!p0 $0x1;
	_ =	shalt  }
.Lfunc_end2:
_tile_overlayer_lowered:
.L_overlay_start_2:
0x97: {  	(tag) =	ssettag $0x2  }
0x98: {  	s0 =	rddreg [dreg:$0x0];
	s2 =	stileid.u32  }
0x99: {  	s1 =	rddreg [dreg:$0x1];
	p0 =	sne.s32 s2, $0x0  }
0x9a: {  	s3 =	rddreg [dreg:$0x2];
	[bflag:$0x3] =	sbarrier.arrive $0xFFFF;
	s2 =	simm.s32 @!p0 $0x1C01  }
0x9b: {  	[timem:s3], [sflag:s2] =	dma.local @!p0 [hbm:s0], s1  }
0x9c: {  	s0 =	simm.s32 @!p0 $0x1  }
0x9d: {  	_ =	swait.ge @!p0 [sflag:s0], s1  }
0x9e: {  	s1 =	ssub.s32 @!p0 $0x0, s1;
	[sflag:s0] =	ssyncset.done @!p0 $0x0  }
0x9f: {  	[sflag:s0] =	ssyncadd.s32 @!p0 s1  }
0xa0: {  	[bflag:$0x3] =	sbarrier.arrive $0xFFFF  }
0xa1: {  	_ =	shalt  }

</sc_bundles>
